<compile_context>
chip_gen: v7x
topology: tpu7x:2x2x1
jax: 0.10.2.dev20260603
libtpu: 0.0.44.dev20260713+nightly
codegen_flags: <defaults>
</compile_context>

<pallas_src>
import functools

import jax
import jax.numpy as jnp
from jax import lax
from jax.experimental import pallas as pl
from jax.experimental.pallas import tpu as pltpu
from jax.experimental.pallas import tpu_sc as plsc

_BATCH = 4
_SEQ = 2048
_DIM = 128
_NC = 2
_NS = 16
_NW = _NC * _NS
_W = _SEQ // _NW
_NPAIR = _BATCH // 2
_SCALE = 11.313708498984761


def _sc_embed(x, table, pos_enc):
    mesh = plsc.VectorSubcoreMesh(core_axis_name="c", subcore_axis_name="s")

    @functools.partial(
        pl.kernel,
        mesh=mesh,
        out_type=jax.ShapeDtypeStruct((_BATCH, _SEQ, _DIM), jnp.float32),
        scratch_types=[
            pltpu.VMEM((_BATCH * _W,), jnp.int32),
            pltpu.VMEM((_NPAIR, 2 * _W, _DIM), jnp.float32),
            pltpu.VMEM((_W, _DIM), jnp.float32),
            pltpu.SemaphoreType.DMA,
            pltpu.SemaphoreType.DMA,
            pltpu.SemaphoreType.DMA,
            pltpu.SemaphoreType.DMA,
        ],
    )
    def embed_kernel(idx_hbm, table_hbm, pos_hbm, out_hbm,
                     idx_v, rows_v, pos_v, isem, psem, gsem, osem):
        wid = lax.axis_index("s") * _NC + lax.axis_index("c")
        s_off = wid * _W
        icps = [
            pltpu.async_copy(
                idx_hbm.at[b, pl.ds(s_off, _W)], idx_v.at[pl.ds(b * _W, _W)], isem
            )
            for b in range(_BATCH)
        ]
        pcp = pltpu.async_copy(pos_hbm.at[pl.ds(s_off, _W)], pos_v, psem)
        gcps = []
        for w in range(_NPAIR):
            icps[2 * w].wait()
            icps[2 * w + 1].wait()
            gcps.append(
                pltpu.async_copy(
                    table_hbm.at[idx_v.at[pl.ds(w * 2 * _W, 2 * _W)]],
                    rows_v.at[w],
                    gsem,
                )
            )
        pcp.wait()
        ocps = []
        for w in range(_NPAIR):
            gcps[w].wait()

            @plsc.parallel_loop(0, _W, unroll=1)
            def _scale_add(r, w=w):
                for j in range(_DIM // 16):
                    sl = pl.ds(j * 16, 16)
                    p = pos_v[r, sl]
                    rows_v[w, r, sl] = rows_v[w, r, sl] * _SCALE + p
                    rows_v[w, r + _W, sl] = rows_v[w, r + _W, sl] * _SCALE + p

            for h in range(2):
                ocps.append(
                    pltpu.async_copy(
                        rows_v.at[w, pl.ds(h * _W, _W)],
                        out_hbm.at[2 * w + h, pl.ds(s_off, _W)],
                        osem,
                    )
                )
        for cp in ocps:
            cp.wait()

    return embed_kernel(x, table, pos_enc)


def kernel(x, table, pos_enc):
    return _sc_embed(x.astype(jnp.int32), table, pos_enc)

# --- scband reference (transcript-rebuilt; emitter-appended) ---
"""Pipeline reference for scband-positional-embedding-8821862826201 (READ-ONLY COPY).

The authoritative reference and input builder live on the scoring server;
editing this copy changes nothing except your own understanding.
"""

import jax, jax.numpy as jnp
import numpy as np

VOCAB_SIZE = 100000
MODEL_DIM = 128
SENTENCE_SIZE = 2048
BATCH = 4
SEQ_LEN = 2048


def positional_encoding(length, depth):
    half = depth / 2
    positions = np.arange(length)[:, np.newaxis]
    depths = np.arange(half)[np.newaxis, :] / half
    angle_rates = 1 / 10000 ** depths
    angles = positions * angle_rates
    pos_enc = np.zeros(shape=(length, int(half * 2)))
    pos_enc[:, 0::2] = np.sin(angles)
    pos_enc[:, 1::2] = np.cos(angles)
    return jnp.asarray(pos_enc, dtype=jnp.float32)


def setup_inputs(seed: int = 0) -> dict:
    key = jax.random.key(seed)
    k1, k2 = jax.random.split(key)
    x = jax.random.randint(k1, (BATCH, SEQ_LEN), 0, VOCAB_SIZE, dtype=jnp.int64 if jax.config.jax_enable_x64 else jnp.int32)
    # Embedding table (learned parameter), keras default uniform init
    table = jax.random.uniform(k2, (VOCAB_SIZE, MODEL_DIM), minval=-0.05, maxval=0.05, dtype=jnp.float32)
    pos_enc = positional_encoding(SENTENCE_SIZE, MODEL_DIM)
    return {"x": x, "table": table, "pos_enc": pos_enc}


def reference(x, table, pos_enc):
    length = x.shape[1]
    emb = jnp.take(table, x, axis=0)
    emb = emb * jnp.sqrt(jnp.asarray(MODEL_DIM, dtype=jnp.float32))
    out = emb + pos_enc[jnp.newaxis, :length, :]
    return out

if __name__ == "__main__":
    import jax
    _d = setup_inputs()
    print(jax.jit(kernel)(*tuple(_d.values())))

</pallas_src>

<mosaic_0001>
#map = affine_map<(d0, d1) -> (0, 0)>
#map1 = affine_map<(d0, d1) -> (0, 0, 0)>
module attributes {stable_mosaic.version = 14 : i64} {
  func.func @embed_kernel(%arg0: i32, %arg1: i32, %arg2: memref<4x2048xi32, #tpu.memory_space<hbm>>, %arg3: memref<100000x128xf32, #tpu.memory_space<hbm>>, %arg4: memref<2048x128xf32, #tpu.memory_space<hbm>>, %arg5: memref<4x2048x128xf32, #tpu.memory_space<hbm>>, %arg6: memref<256xi32, #tpu.memory_space<vmem>>, %arg7: memref<2x128x128xf32, #tpu.memory_space<vmem>>, %arg8: memref<64x128xf32, #tpu.memory_space<vmem>>, %arg9: memref<!tpu.dma_semaphore, #tpu.memory_space<semaphore_mem>>, %arg10: memref<!tpu.dma_semaphore, #tpu.memory_space<semaphore_mem>>, %arg11: memref<!tpu.dma_semaphore, #tpu.memory_space<semaphore_mem>>, %arg12: memref<!tpu.dma_semaphore, #tpu.memory_space<semaphore_mem>>) attributes {dimension_semantics = [#tpu.dimension_semantics<core_parallel>, #tpu.dimension_semantics<subcore_parallel>], iteration_bounds = array<i64: 2, 16>, scalar_prefetch = 0 : i64, scratch_operands = 7 : i64, tpu.core_type = #tpu.core_type<sc_vector_subcore>, window_params = [{transform_indices = #map}, {transform_indices = #map}, {transform_indices = #map}, {transform_indices = #map1}]} {
    %mul3A = arith.constant 2 : i32
    %mul3A_0 = arith.muli %arg1, %mul3A : i32
    %add3A = arith.addi %mul3A_0, %arg0 : i32
    %mul3A_1 = arith.constant 64 : i32
    %mul3A_2 = arith.muli %add3A, %mul3A_1 : i32
    %dma_start3A = arith.constant 0 : i32
    %dma_start3A_3 = arith.constant 0 : i32
    %dma_start3A_4 = tpu.memref_slice %arg6[%dma_start3A_3] : memref<256xi32, #tpu.memory_space<vmem>> -> memref<64xi32, #tpu.memory_space<vmem>>
    %dma_start3A_5 = tpu.memref_slice %arg2[%dma_start3A, %mul3A_2] : memref<4x2048xi32, #tpu.memory_space<hbm>> -> memref<1x64xi32, #tpu.memory_space<hbm>>
    %dma_start3A_6 = tpu.memref_squeeze %dma_start3A_5 : memref<1x64xi32, #tpu.memory_space<hbm>> -> memref<64xi32, #tpu.memory_space<hbm>>
    %dma_start3A_7 = arith.constant 0 : i32
    %dma_start3A_8 = tpu.memref_slice %arg6[%dma_start3A_7] : memref<256xi32, #tpu.memory_space<vmem>> -> memref<64xi32, #tpu.memory_space<vmem>>
    %dma_start3A_9 = tpu.memref_slice %arg2[%dma_start3A, %mul3A_2] : memref<4x2048xi32, #tpu.memory_space<hbm>> -> memref<1x64xi32, #tpu.memory_space<hbm>>
    %dma_start3A_10 = tpu.memref_squeeze %dma_start3A_9 : memref<1x64xi32, #tpu.memory_space<hbm>> -> memref<64xi32, #tpu.memory_space<hbm>>
    tpu.enqueue_dma source(%dma_start3A_10 : memref<64xi32, #tpu.memory_space<hbm>>) target(%dma_start3A_8 : memref<64xi32, #tpu.memory_space<vmem>>) target_semaphore(%arg9 : memref<!tpu.dma_semaphore, #tpu.memory_space<semaphore_mem>>)
    %dma_start3A_11 = arith.constant 1 : i32
    %dma_start3A_12 = arith.constant 64 : i32
    %dma_start3A_13 = tpu.memref_slice %arg6[%dma_start3A_12] : memref<256xi32, #tpu.memory_space<vmem>> -> memref<64xi32, #tpu.memory_space<vmem>>
    %dma_start3A_14 = tpu.memref_slice %arg2[%dma_start3A_11, %mul3A_2] : memref<4x2048xi32, #tpu.memory_space<hbm>> -> memref<1x64xi32, #tpu.memory_space<hbm>>
    %dma_start3A_15 = tpu.memref_squeeze %dma_start3A_14 : memref<1x64xi32, #tpu.memory_space<hbm>> -> memref<64xi32, #tpu.memory_space<hbm>>
    %dma_start3A_16 = arith.constant 64 : i32
    %dma_start3A_17 = tpu.memref_slice %arg6[%dma_start3A_16] : memref<256xi32, #tpu.memory_space<vmem>> -> memref<64xi32, #tpu.memory_space<vmem>>
    %dma_start3A_18 = tpu.memref_slice %arg2[%dma_start3A_11, %mul3A_2] : memref<4x2048xi32, #tpu.memory_space<hbm>> -> memref<1x64xi32, #tpu.memory_space<hbm>>
    %dma_start3A_19 = tpu.memref_squeeze %dma_start3A_18 : memref<1x64xi32, #tpu.memory_space<hbm>> -> memref<64xi32, #tpu.memory_space<hbm>>
    tpu.enqueue_dma source(%dma_start3A_19 : memref<64xi32, #tpu.memory_space<hbm>>) target(%dma_start3A_17 : memref<64xi32, #tpu.memory_space<vmem>>) target_semaphore(%arg9 : memref<!tpu.dma_semaphore, #tpu.memory_space<semaphore_mem>>)
    %dma_start3A_20 = arith.constant 2 : i32
    %dma_start3A_21 = arith.constant 128 : i32
    %dma_start3A_22 = tpu.memref_slice %arg6[%dma_start3A_21] : memref<256xi32, #tpu.memory_space<vmem>> -> memref<64xi32, #tpu.memory_space<vmem>>
    %dma_start3A_23 = tpu.memref_slice %arg2[%dma_start3A_20, %mul3A_2] : memref<4x2048xi32, #tpu.memory_space<hbm>> -> memref<1x64xi32, #tpu.memory_space<hbm>>
    %dma_start3A_24 = tpu.memref_squeeze %dma_start3A_23 : memref<1x64xi32, #tpu.memory_space<hbm>> -> memref<64xi32, #tpu.memory_space<hbm>>
    %dma_start3A_25 = arith.constant 128 : i32
    %dma_start3A_26 = tpu.memref_slice %arg6[%dma_start3A_25] : memref<256xi32, #tpu.memory_space<vmem>> -> memref<64xi32, #tpu.memory_space<vmem>>
    %dma_start3A_27 = tpu.memref_slice %arg2[%dma_start3A_20, %mul3A_2] : memref<4x2048xi32, #tpu.memory_space<hbm>> -> memref<1x64xi32, #tpu.memory_space<hbm>>
    %dma_start3A_28 = tpu.memref_squeeze %dma_start3A_27 : memref<1x64xi32, #tpu.memory_space<hbm>> -> memref<64xi32, #tpu.memory_space<hbm>>
    tpu.enqueue_dma source(%dma_start3A_28 : memref<64xi32, #tpu.memory_space<hbm>>) target(%dma_start3A_26 : memref<64xi32, #tpu.memory_space<vmem>>) target_semaphore(%arg9 : memref<!tpu.dma_semaphore, #tpu.memory_space<semaphore_mem>>)
    %dma_start3A_29 = arith.constant 3 : i32
    %dma_start3A_30 = arith.constant 192 : i32
    %dma_start3A_31 = tpu.memref_slice %arg6[%dma_start3A_30] : memref<256xi32, #tpu.memory_space<vmem>> -> memref<64xi32, #tpu.memory_space<vmem>>
    %dma_start3A_32 = tpu.memref_slice %arg2[%dma_start3A_29, %mul3A_2] : memref<4x2048xi32, #tpu.memory_space<hbm>> -> memref<1x64xi32, #tpu.memory_space<hbm>>
    %dma_start3A_33 = tpu.memref_squeeze %dma_start3A_32 : memref<1x64xi32, #tpu.memory_space<hbm>> -> memref<64xi32, #tpu.memory_space<hbm>>
    %dma_start3A_34 = arith.constant 192 : i32
    %dma_start3A_35 = tpu.memref_slice %arg6[%dma_start3A_34] : memref<256xi32, #tpu.memory_space<vmem>> -> memref<64xi32, #tpu.memory_space<vmem>>
    %dma_start3A_36 = tpu.memref_slice %arg2[%dma_start3A_29, %mul3A_2] : memref<4x2048xi32, #tpu.memory_space<hbm>> -> memref<1x64xi32, #tpu.memory_space<hbm>>
    %dma_start3A_37 = tpu.memref_squeeze %dma_start3A_36 : memref<1x64xi32, #tpu.memory_space<hbm>> -> memref<64xi32, #tpu.memory_space<hbm>>
    tpu.enqueue_dma source(%dma_start3A_37 : memref<64xi32, #tpu.memory_space<hbm>>) target(%dma_start3A_35 : memref<64xi32, #tpu.memory_space<vmem>>) target_semaphore(%arg9 : memref<!tpu.dma_semaphore, #tpu.memory_space<semaphore_mem>>)
    %dma_start3A_38 = arith.constant 0 : i32
    %dma_start3A_39 = tpu.memref_slice %arg4[%mul3A_2, %dma_start3A_38] : memref<2048x128xf32, #tpu.memory_space<hbm>> -> memref<64x128xf32, #tpu.memory_space<hbm>>
    %dma_start3A_40 = arith.constant 0 : i32
    %dma_start3A_41 = tpu.memref_slice %arg4[%mul3A_2, %dma_start3A_40] : memref<2048x128xf32, #tpu.memory_space<hbm>> -> memref<64x128xf32, #tpu.memory_space<hbm>>
    tpu.enqueue_dma source(%dma_start3A_41 : memref<64x128xf32, #tpu.memory_space<hbm>>) target(%arg8 : memref<64x128xf32, #tpu.memory_space<vmem>>) target_semaphore(%arg10 : memref<!tpu.dma_semaphore, #tpu.memory_space<semaphore_mem>>)
    %dma_wait3A = arith.constant 0 : i32
    %dma_wait3A_42 = arith.constant 0 : i32
    %dma_wait3A_43 = tpu.memref_slice %arg6[%dma_wait3A_42] : memref<256xi32, #tpu.memory_space<vmem>> -> memref<64xi32, #tpu.memory_space<vmem>>
    %dma_wait3A_44 = tpu.memref_slice %arg2[%dma_wait3A, %mul3A_2] : memref<4x2048xi32, #tpu.memory_space<hbm>> -> memref<1x64xi32, #tpu.memory_space<hbm>>
    %dma_wait3A_45 = tpu.memref_squeeze %dma_wait3A_44 : memref<1x64xi32, #tpu.memory_space<hbm>> -> memref<64xi32, #tpu.memory_space<hbm>>
    %dma_wait3A_46 = arith.constant 0 : i32
    %dma_wait3A_47 = tpu.memref_slice %arg6[%dma_wait3A_46] : memref<256xi32, #tpu.memory_space<vmem>> -> memref<64xi32, #tpu.memory_space<vmem>>
    %dma_wait3A_48 = tpu.memref_slice %arg2[%dma_wait3A, %mul3A_2] : memref<4x2048xi32, #tpu.memory_space<hbm>> -> memref<1x64xi32, #tpu.memory_space<hbm>>
    %dma_wait3A_49 = tpu.memref_squeeze %dma_wait3A_48 : memref<1x64xi32, #tpu.memory_space<hbm>> -> memref<64xi32, #tpu.memory_space<hbm>>
    tpu.wait_dma2 semaphore(%arg9 : memref<!tpu.dma_semaphore, #tpu.memory_space<semaphore_mem>>) src(%dma_wait3A_49 : memref<64xi32, #tpu.memory_space<hbm>>) dst(%dma_wait3A_47 : memref<64xi32, #tpu.memory_space<vmem>>)
    %dma_wait3A_50 = arith.constant 1 : i32
    %dma_wait3A_51 = arith.constant 64 : i32
    %dma_wait3A_52 = tpu.memref_slice %arg6[%dma_wait3A_51] : memref<256xi32, #tpu.memory_space<vmem>> -> memref<64xi32, #tpu.memory_space<vmem>>
    %dma_wait3A_53 = tpu.memref_slice %arg2[%dma_wait3A_50, %mul3A_2] : memref<4x2048xi32, #tpu.memory_space<hbm>> -> memref<1x64xi32, #tpu.memory_space<hbm>>
    %dma_wait3A_54 = tpu.memref_squeeze %dma_wait3A_53 : memref<1x64xi32, #tpu.memory_space<hbm>> -> memref<64xi32, #tpu.memory_space<hbm>>
    %dma_wait3A_55 = arith.constant 64 : i32
    %dma_wait3A_56 = tpu.memref_slice %arg6[%dma_wait3A_55] : memref<256xi32, #tpu.memory_space<vmem>> -> memref<64xi32, #tpu.memory_space<vmem>>
    %dma_wait3A_57 = tpu.memref_slice %arg2[%dma_wait3A_50, %mul3A_2] : memref<4x2048xi32, #tpu.memory_space<hbm>> -> memref<1x64xi32, #tpu.memory_space<hbm>>
    %dma_wait3A_58 = tpu.memref_squeeze %dma_wait3A_57 : memref<1x64xi32, #tpu.memory_space<hbm>> -> memref<64xi32, #tpu.memory_space<hbm>>
    tpu.wait_dma2 semaphore(%arg9 : memref<!tpu.dma_semaphore, #tpu.memory_space<semaphore_mem>>) src(%dma_wait3A_58 : memref<64xi32, #tpu.memory_space<hbm>>) dst(%dma_wait3A_56 : memref<64xi32, #tpu.memory_space<vmem>>)
    %dma_start3A_59 = arith.constant 0 : i32
    %dma_start3A_60 = arith.constant 0 : i32
    %dma_start3A_61 = arith.constant 0 : i32
    %dma_start3A_62 = tpu.memref_slice %arg7[%dma_start3A_59, %dma_start3A_60, %dma_start3A_61] : memref<2x128x128xf32, #tpu.memory_space<vmem>> -> memref<1x128x128xf32, #tpu.memory_space<vmem>>
    %dma_start3A_63 = tpu.memref_squeeze %dma_start3A_62 : memref<1x128x128xf32, #tpu.memory_space<vmem>> -> memref<128x128xf32, #tpu.memory_space<vmem>>
    %dma_start3A_64 = arith.constant 0 : i32
    %dma_start3A_65 = tpu.memref_slice %arg6[%dma_start3A_64] : memref<256xi32, #tpu.memory_space<vmem>> -> memref<128xi32, #tpu.memory_space<vmem>>
    %dma_start3A_66 = arith.constant 0 : i32
    %dma_start3A_67 = arith.constant 0 : i32
    %dma_start3A_68 = tpu.memref_slice %arg3[%dma_start3A_66, %dma_start3A_67] : memref<100000x128xf32, #tpu.memory_space<hbm>> -> memref<100000x128xf32, #tpu.memory_space<hbm>>
    tpu.enqueue_indirect_dma source(%dma_start3A_68 : memref<100000x128xf32, #tpu.memory_space<hbm>>) target(%dma_start3A_63 : memref<128x128xf32, #tpu.memory_space<vmem>>) offsets(%dma_start3A_65 : memref<128xi32, #tpu.memory_space<vmem>>) semaphore(%arg11 : memref<!tpu.dma_semaphore, #tpu.memory_space<semaphore_mem>>)
    %dma_wait3A_69 = arith.constant 2 : i32
    %dma_wait3A_70 = arith.constant 128 : i32
    %dma_wait3A_71 = tpu.memref_slice %arg6[%dma_wait3A_70] : memref<256xi32, #tpu.memory_space<vmem>> -> memref<64xi32, #tpu.memory_space<vmem>>
    %dma_wait3A_72 = tpu.memref_slice %arg2[%dma_wait3A_69, %mul3A_2] : memref<4x2048xi32, #tpu.memory_space<hbm>> -> memref<1x64xi32, #tpu.memory_space<hbm>>
    %dma_wait3A_73 = tpu.memref_squeeze %dma_wait3A_72 : memref<1x64xi32, #tpu.memory_space<hbm>> -> memref<64xi32, #tpu.memory_space<hbm>>
    %dma_wait3A_74 = arith.constant 128 : i32
    %dma_wait3A_75 = tpu.memref_slice %arg6[%dma_wait3A_74] : memref<256xi32, #tpu.memory_space<vmem>> -> memref<64xi32, #tpu.memory_space<vmem>>
    %dma_wait3A_76 = tpu.memref_slice %arg2[%dma_wait3A_69, %mul3A_2] : memref<4x2048xi32, #tpu.memory_space<hbm>> -> memref<1x64xi32, #tpu.memory_space<hbm>>
    %dma_wait3A_77 = tpu.memref_squeeze %dma_wait3A_76 : memref<1x64xi32, #tpu.memory_space<hbm>> -> memref<64xi32, #tpu.memory_space<hbm>>
    tpu.wait_dma2 semaphore(%arg9 : memref<!tpu.dma_semaphore, #tpu.memory_space<semaphore_mem>>) src(%dma_wait3A_77 : memref<64xi32, #tpu.memory_space<hbm>>) dst(%dma_wait3A_75 : memref<64xi32, #tpu.memory_space<vmem>>)
    %dma_wait3A_78 = arith.constant 3 : i32
    %dma_wait3A_79 = arith.constant 192 : i32
    %dma_wait3A_80 = tpu.memref_slice %arg6[%dma_wait3A_79] : memref<256xi32, #tpu.memory_space<vmem>> -> memref<64xi32, #tpu.memory_space<vmem>>
    %dma_wait3A_81 = tpu.memref_slice %arg2[%dma_wait3A_78, %mul3A_2] : memref<4x2048xi32, #tpu.memory_space<hbm>> -> memref<1x64xi32, #tpu.memory_space<hbm>>
    %dma_wait3A_82 = tpu.memref_squeeze %dma_wait3A_81 : memref<1x64xi32, #tpu.memory_space<hbm>> -> memref<64xi32, #tpu.memory_space<hbm>>
    %dma_wait3A_83 = arith.constant 192 : i32
    %dma_wait3A_84 = tpu.memref_slice %arg6[%dma_wait3A_83] : memref<256xi32, #tpu.memory_space<vmem>> -> memref<64xi32, #tpu.memory_space<vmem>>
    %dma_wait3A_85 = tpu.memref_slice %arg2[%dma_wait3A_78, %mul3A_2] : memref<4x2048xi32, #tpu.memory_space<hbm>> -> memref<1x64xi32, #tpu.memory_space<hbm>>
    %dma_wait3A_86 = tpu.memref_squeeze %dma_wait3A_85 : memref<1x64xi32, #tpu.memory_space<hbm>> -> memref<64xi32, #tpu.memory_space<hbm>>
    tpu.wait_dma2 semaphore(%arg9 : memref<!tpu.dma_semaphore, #tpu.memory_space<semaphore_mem>>) src(%dma_wait3A_86 : memref<64xi32, #tpu.memory_space<hbm>>) dst(%dma_wait3A_84 : memref<64xi32, #tpu.memory_space<vmem>>)
    %dma_start3A_87 = arith.constant 1 : i32
    %dma_start3A_88 = arith.constant 0 : i32
    %dma_start3A_89 = arith.constant 0 : i32
    %dma_start3A_90 = tpu.memref_slice %arg7[%dma_start3A_87, %dma_start3A_88, %dma_start3A_89] : memref<2x128x128xf32, #tpu.memory_space<vmem>> -> memref<1x128x128xf32, #tpu.memory_space<vmem>>
    %dma_start3A_91 = tpu.memref_squeeze %dma_start3A_90 : memref<1x128x128xf32, #tpu.memory_space<vmem>> -> memref<128x128xf32, #tpu.memory_space<vmem>>
    %dma_start3A_92 = arith.constant 128 : i32
    %dma_start3A_93 = tpu.memref_slice %arg6[%dma_start3A_92] : memref<256xi32, #tpu.memory_space<vmem>> -> memref<128xi32, #tpu.memory_space<vmem>>
    %dma_start3A_94 = arith.constant 0 : i32
    %dma_start3A_95 = arith.constant 0 : i32
    %dma_start3A_96 = tpu.memref_slice %arg3[%dma_start3A_94, %dma_start3A_95] : memref<100000x128xf32, #tpu.memory_space<hbm>> -> memref<100000x128xf32, #tpu.memory_space<hbm>>
    tpu.enqueue_indirect_dma source(%dma_start3A_96 : memref<100000x128xf32, #tpu.memory_space<hbm>>) target(%dma_start3A_91 : memref<128x128xf32, #tpu.memory_space<vmem>>) offsets(%dma_start3A_93 : memref<128xi32, #tpu.memory_space<vmem>>) semaphore(%arg11 : memref<!tpu.dma_semaphore, #tpu.memory_space<semaphore_mem>>)
    %dma_wait3A_97 = arith.constant 0 : i32
    %dma_wait3A_98 = tpu.memref_slice %arg4[%mul3A_2, %dma_wait3A_97] : memref<2048x128xf32, #tpu.memory_space<hbm>> -> memref<64x128xf32, #tpu.memory_space<hbm>>
    %dma_wait3A_99 = arith.constant 0 : i32
    %dma_wait3A_100 = tpu.memref_slice %arg4[%mul3A_2, %dma_wait3A_99] : memref<2048x128xf32, #tpu.memory_space<hbm>> -> memref<64x128xf32, #tpu.memory_space<hbm>>
    tpu.wait_dma2 semaphore(%arg10 : memref<!tpu.dma_semaphore, #tpu.memory_space<semaphore_mem>>) src(%dma_wait3A_100 : memref<64x128xf32, #tpu.memory_space<hbm>>) dst(%arg8 : memref<64x128xf32, #tpu.memory_space<vmem>>)
    %dma_wait3A_101 = arith.constant 0 : i32
    %dma_wait3A_102 = arith.constant 0 : i32
    %dma_wait3A_103 = arith.constant 0 : i32
    %dma_wait3A_104 = tpu.memref_slice %arg7[%dma_wait3A_101, %dma_wait3A_102, %dma_wait3A_103] : memref<2x128x128xf32, #tpu.memory_space<vmem>> -> memref<1x128x128xf32, #tpu.memory_space<vmem>>
    %dma_wait3A_105 = tpu.memref_squeeze %dma_wait3A_104 : memref<1x128x128xf32, #tpu.memory_space<vmem>> -> memref<128x128xf32, #tpu.memory_space<vmem>>
    %dma_wait3A_106 = arith.constant 0 : i32
    %dma_wait3A_107 = tpu.memref_slice %arg6[%dma_wait3A_106] : memref<256xi32, #tpu.memory_space<vmem>> -> memref<128xi32, #tpu.memory_space<vmem>>
    %dma_wait3A_108 = arith.constant 0 : i32
    %dma_wait3A_109 = arith.constant 0 : i32
    %dma_wait3A_110 = tpu.memref_slice %arg3[%dma_wait3A_108, %dma_wait3A_109] : memref<100000x128xf32, #tpu.memory_space<hbm>> -> memref<100000x128xf32, #tpu.memory_space<hbm>>
    tpu.wait_indirect_dma semaphore(%arg11 : memref<!tpu.dma_semaphore, #tpu.memory_space<semaphore_mem>>) src(%dma_wait3A_110 : memref<100000x128xf32, #tpu.memory_space<hbm>>) dst(%dma_wait3A_105 : memref<128x128xf32, #tpu.memory_space<vmem>>)
    %parallel_loop3A = arith.constant 0 : i32
    %parallel_loop3A_111 = arith.constant 64 : i32
    %parallel_loop3A_112 = arith.constant 1 : i32
    scf.for %parallel_loop3A_254 = %parallel_loop3A to %parallel_loop3A_111 step %parallel_loop3A_112  : i32 {
      %parallel_loop3A_255 = arith.index_cast %parallel_loop3A_254 : i32 to index
      %parallel_loop3A_256 = arith.constant 0 : index
      %parallel_loop3A_257 = tpu.vector_load %arg8[%parallel_loop3A_255, %parallel_loop3A_256] {strides = array<i32>} : memref<64x128xf32, #tpu.memory_space<vmem>>, vector<1x16xf32>,
      %parallel_loop3A_258 = vector.shape_cast %parallel_loop3A_257 : vector<1x16xf32> to vector<16xf32>
      %parallel_loop3A_259 = arith.constant 0 : i32
      %parallel_loop3A_260 = arith.index_cast %parallel_loop3A_259 : i32 to index
      %parallel_loop3A_261 = arith.index_cast %parallel_loop3A_254 : i32 to index
      %parallel_loop3A_262 = arith.constant 0 : index
      %parallel_loop3A_263 = tpu.vector_load %arg7[%parallel_loop3A_260, %parallel_loop3A_261, %parallel_loop3A_262] {strides = array<i32>} : memref<2x128x128xf32, #tpu.memory_space<vmem>>, vector<1x1x16xf32>,
      %parallel_loop3A_264 = vector.shape_cast %parallel_loop3A_263 : vector<1x1x16xf32> to vector<16xf32>
      %parallel_loop3A_265 = arith.constant 11.3137083 : f32
      %parallel_loop3A_266 = vector.broadcast %parallel_loop3A_265 : f32 to vector<16xf32>
      %parallel_loop3A_267 = arith.mulf %parallel_loop3A_264, %parallel_loop3A_266 : vector<16xf32>
      %parallel_loop3A_268 = arith.addf %parallel_loop3A_267, %parallel_loop3A_258 : vector<16xf32>
      %parallel_loop3A_269 = arith.constant 0 : i32
      %parallel_loop3A_270 = arith.index_cast %parallel_loop3A_269 : i32 to index
      %parallel_loop3A_271 = arith.index_cast %parallel_loop3A_254 : i32 to index
      %parallel_loop3A_272 = arith.constant 0 : index
      %parallel_loop3A_273 = tpu.vector_load %arg7[%parallel_loop3A_270, %parallel_loop3A_271, %parallel_loop3A_272] {strides = array<i32>} : memref<2x128x128xf32, #tpu.memory_space<vmem>>, vector<1x1x16xf32>,
      %parallel_loop3A_274 = vector.shape_cast %parallel_loop3A_273 : vector<1x1x16xf32> to vector<16xf32>
      %parallel_loop3A_275 = vector.shape_cast %parallel_loop3A_268 : vector<16xf32> to vector<1x1x16xf32>
      tpu.vector_store %arg7[%parallel_loop3A_270, %parallel_loop3A_271, %parallel_loop3A_272], %parallel_loop3A_275 {strides = array<i32>} : memref<2x128x128xf32, #tpu.memory_space<vmem>>, vector<1x1x16xf32>,
      %parallel_loop3A_276 = arith.constant 64 : i32
      %parallel_loop3A_277 = arith.addi %parallel_loop3A_254, %parallel_loop3A_276 : i32
      %parallel_loop3A_278 = arith.constant 0 : i32
      %parallel_loop3A_279 = arith.index_cast %parallel_loop3A_278 : i32 to index
      %parallel_loop3A_280 = arith.index_cast %parallel_loop3A_277 : i32 to index
      %parallel_loop3A_281 = arith.constant 0 : index
      %parallel_loop3A_282 = tpu.vector_load %arg7[%parallel_loop3A_279, %parallel_loop3A_280, %parallel_loop3A_281] {strides = array<i32>} : memref<2x128x128xf32, #tpu.memory_space<vmem>>, vector<1x1x16xf32>,
      %parallel_loop3A_283 = vector.shape_cast %parallel_loop3A_282 : vector<1x1x16xf32> to vector<16xf32>
      %parallel_loop3A_284 = arith.constant 11.3137083 : f32
      %parallel_loop3A_285 = vector.broadcast %parallel_loop3A_284 : f32 to vector<16xf32>
      %parallel_loop3A_286 = arith.mulf %parallel_loop3A_283, %parallel_loop3A_285 : vector<16xf32>
      %parallel_loop3A_287 = arith.addf %parallel_loop3A_286, %parallel_loop3A_258 : vector<16xf32>
      %parallel_loop3A_288 = arith.constant 64 : i32
      %parallel_loop3A_289 = arith.addi %parallel_loop3A_254, %parallel_loop3A_288 : i32
      %parallel_loop3A_290 = arith.constant 0 : i32
      %parallel_loop3A_291 = arith.index_cast %parallel_loop3A_290 : i32 to index
      %parallel_loop3A_292 = arith.index_cast %parallel_loop3A_289 : i32 to index
      %parallel_loop3A_293 = arith.constant 0 : index
      %parallel_loop3A_294 = tpu.vector_load %arg7[%parallel_loop3A_291, %parallel_loop3A_292, %parallel_loop3A_293] {strides = array<i32>} : memref<2x128x128xf32, #tpu.memory_space<vmem>>, vector<1x1x16xf32>,
      %parallel_loop3A_295 = vector.shape_cast %parallel_loop3A_294 : vector<1x1x16xf32> to vector<16xf32>
      %parallel_loop3A_296 = vector.shape_cast %parallel_loop3A_287 : vector<16xf32> to vector<1x1x16xf32>
      tpu.vector_store %arg7[%parallel_loop3A_291, %parallel_loop3A_292, %parallel_loop3A_293], %parallel_loop3A_296 {strides = array<i32>} : memref<2x128x128xf32, #tpu.memory_space<vmem>>, vector<1x1x16xf32>,
      %parallel_loop3A_297 = arith.index_cast %parallel_loop3A_254 : i32 to index
      %parallel_loop3A_298 = arith.constant 16 : index
      %parallel_loop3A_299 = tpu.vector_load %arg8[%parallel_loop3A_297, %parallel_loop3A_298] {strides = array<i32>} : memref<64x128xf32, #tpu.memory_space<vmem>>, vector<1x16xf32>,
      %parallel_loop3A_300 = vector.shape_cast %parallel_loop3A_299 : vector<1x16xf32> to vector<16xf32>
      %parallel_loop3A_301 = arith.constant 0 : i32
      %parallel_loop3A_302 = arith.index_cast %parallel_loop3A_301 : i32 to index
      %parallel_loop3A_303 = arith.index_cast %parallel_loop3A_254 : i32 to index
      %parallel_loop3A_304 = arith.constant 16 : index
      %parallel_loop3A_305 = tpu.vector_load %arg7[%parallel_loop3A_302, %parallel_loop3A_303, %parallel_loop3A_304] {strides = array<i32>} : memref<2x128x128xf32, #tpu.memory_space<vmem>>, vector<1x1x16xf32>,
      %parallel_loop3A_306 = vector.shape_cast %parallel_loop3A_305 : vector<1x1x16xf32> to vector<16xf32>
      %parallel_loop3A_307 = arith.constant 11.3137083 : f32
      %parallel_loop3A_308 = vector.broadcast %parallel_loop3A_307 : f32 to vector<16xf32>
      %parallel_loop3A_309 = arith.mulf %parallel_loop3A_306, %parallel_loop3A_308 : vector<16xf32>
      %parallel_loop3A_310 = arith.addf %parallel_loop3A_309, %parallel_loop3A_300 : vector<16xf32>
      %parallel_loop3A_311 = arith.constant 0 : i32
      %parallel_loop3A_312 = arith.index_cast %parallel_loop3A_311 : i32 to index
      %parallel_loop3A_313 = arith.index_cast %parallel_loop3A_254 : i32 to index
      %parallel_loop3A_314 = arith.constant 16 : index
      %parallel_loop3A_315 = tpu.vector_load %arg7[%parallel_loop3A_312, %parallel_loop3A_313, %parallel_loop3A_314] {strides = array<i32>} : memref<2x128x128xf32, #tpu.memory_space<vmem>>, vector<1x1x16xf32>,
      %parallel_loop3A_316 = vector.shape_cast %parallel_loop3A_315 : vector<1x1x16xf32> to vector<16xf32>
      %parallel_loop3A_317 = vector.shape_cast %parallel_loop3A_310 : vector<16xf32> to vector<1x1x16xf32>
      tpu.vector_store %arg7[%parallel_loop3A_312, %parallel_loop3A_313, %parallel_loop3A_314], %parallel_loop3A_317 {strides = array<i32>} : memref<2x128x128xf32, #tpu.memory_space<vmem>>, vector<1x1x16xf32>,
      %parallel_loop3A_318 = arith.constant 64 : i32
      %parallel_loop3A_319 = arith.addi %parallel_loop3A_254, %parallel_loop3A_318 : i32
      %parallel_loop3A_320 = arith.constant 0 : i32
      %parallel_loop3A_321 = arith.index_cast %parallel_loop3A_320 : i32 to index
      %parallel_loop3A_322 = arith.index_cast %parallel_loop3A_319 : i32 to index
      %parallel_loop3A_323 = arith.constant 16 : index
      %parallel_loop3A_324 = tpu.vector_load %arg7[%parallel_loop3A_321, %parallel_loop3A_322, %parallel_loop3A_323] {strides = array<i32>} : memref<2x128x128xf32, #tpu.memory_space<vmem>>, vector<1x1x16xf32>,
      %parallel_loop3A_325 = vector.shape_cast %parallel_loop3A_324 : vector<1x1x16xf32> to vector<16xf32>
      %parallel_loop3A_326 = arith.constant 11.3137083 : f32
      %parallel_loop3A_327 = vector.broadcast %parallel_loop3A_326 : f32 to vector<16xf32>
      %parallel_loop3A_328 = arith.mulf %parallel_loop3A_325, %parallel_loop3A_327 : vector<16xf32>
      %parallel_loop3A_329 = arith.addf %parallel_loop3A_328, %parallel_loop3A_300 : vector<16xf32>
      %parallel_loop3A_330 = arith.constant 64 : i32
      %parallel_loop3A_331 = arith.addi %parallel_loop3A_254, %parallel_loop3A_330 : i32
      %parallel_loop3A_332 = arith.constant 0 : i32
      %parallel_loop3A_333 = arith.index_cast %parallel_loop3A_332 : i32 to index
      %parallel_loop3A_334 = arith.index_cast %parallel_loop3A_331 : i32 to index
      %parallel_loop3A_335 = arith.constant 16 : index
      %parallel_loop3A_336 = tpu.vector_load %arg7[%parallel_loop3A_333, %parallel_loop3A_334, %parallel_loop3A_335] {strides = array<i32>} : memref<2x128x128xf32, #tpu.memory_space<vmem>>, vector<1x1x16xf32>,
      %parallel_loop3A_337 = vector.shape_cast %parallel_loop3A_336 : vector<1x1x16xf32> to vector<16xf32>
      %parallel_loop3A_338 = vector.shape_cast %parallel_loop3A_329 : vector<16xf32> to vector<1x1x16xf32>
      tpu.vector_store %arg7[%parallel_loop3A_333, %parallel_loop3A_334, %parallel_loop3A_335], %parallel_loop3A_338 {strides = array<i32>} : memref<2x128x128xf32, #tpu.memory_space<vmem>>, vector<1x1x16xf32>,
      %parallel_loop3A_339 = arith.index_cast %parallel_loop3A_254 : i32 to index
      %parallel_loop3A_340 = arith.constant 32 : index
      %parallel_loop3A_341 = tpu.vector_load %arg8[%parallel_loop3A_339, %parallel_loop3A_340] {strides = array<i32>} : memref<64x128xf32, #tpu.memory_space<vmem>>, vector<1x16xf32>,
      %parallel_loop3A_342 = vector.shape_cast %parallel_loop3A_341 : vector<1x16xf32> to vector<16xf32>
      %parallel_loop3A_343 = arith.constant 0 : i32
      %parallel_loop3A_344 = arith.index_cast %parallel_loop3A_343 : i32 to index
      %parallel_loop3A_345 = arith.index_cast %parallel_loop3A_254 : i32 to index
      %parallel_loop3A_346 = arith.constant 32 : index
      %parallel_loop3A_347 = tpu.vector_load %arg7[%parallel_loop3A_344, %parallel_loop3A_345, %parallel_loop3A_346] {strides = array<i32>} : memref<2x128x128xf32, #tpu.memory_space<vmem>>, vector<1x1x16xf32>,
      %parallel_loop3A_348 = vector.shape_cast %parallel_loop3A_347 : vector<1x1x16xf32> to vector<16xf32>
      %parallel_loop3A_349 = arith.constant 11.3137083 : f32
      %parallel_loop3A_350 = vector.broadcast %parallel_loop3A_349 : f32 to vector<16xf32>
      %parallel_loop3A_351 = arith.mulf %parallel_loop3A_348, %parallel_loop3A_350 : vector<16xf32>
      %parallel_loop3A_352 = arith.addf %parallel_loop3A_351, %parallel_loop3A_342 : vector<16xf32>
      %parallel_loop3A_353 = arith.constant 0 : i32
      %parallel_loop3A_354 = arith.index_cast %parallel_loop3A_353 : i32 to index
      %parallel_loop3A_355 = arith.index_cast %parallel_loop3A_254 : i32 to index
      %parallel_loop3A_356 = arith.constant 32 : index
      %parallel_loop3A_357 = tpu.vector_load %arg7[%parallel_loop3A_354, %parallel_loop3A_355, %parallel_loop3A_356] {strides = array<i32>} : memref<2x128x128xf32, #tpu.memory_space<vmem>>, vector<1x1x16xf32>,
      %parallel_loop3A_358 = vector.shape_cast %parallel_loop3A_357 : vector<1x1x16xf32> to vector<16xf32>
      %parallel_loop3A_359 = vector.shape_cast %parallel_loop3A_352 : vector<16xf32> to vector<1x1x16xf32>
      tpu.vector_store %arg7[%parallel_loop3A_354, %parallel_loop3A_355, %parallel_loop3A_356], %parallel_loop3A_359 {strides = array<i32>} : memref<2x128x128xf32, #tpu.memory_space<vmem>>, vector<1x1x16xf32>,
      %parallel_loop3A_360 = arith.constant 64 : i32
      %parallel_loop3A_361 = arith.addi %parallel_loop3A_254, %parallel_loop3A_360 : i32
      %parallel_loop3A_362 = arith.constant 0 : i32
      %parallel_loop3A_363 = arith.index_cast %parallel_loop3A_362 : i32 to index
      %parallel_loop3A_364 = arith.index_cast %parallel_loop3A_361 : i32 to index
      %parallel_loop3A_365 = arith.constant 32 : index
      %parallel_loop3A_366 = tpu.vector_load %arg7[%parallel_loop3A_363, %parallel_loop3A_364, %parallel_loop3A_365] {strides = array<i32>} : memref<2x128x128xf32, #tpu.memory_space<vmem>>, vector<1x1x16xf32>,
      %parallel_loop3A_367 = vector.shape_cast %parallel_loop3A_366 : vector<1x1x16xf32> to vector<16xf32>
      %parallel_loop3A_368 = arith.constant 11.3137083 : f32
      %parallel_loop3A_369 = vector.broadcast %parallel_loop3A_368 : f32 to vector<16xf32>
      %parallel_loop3A_370 = arith.mulf %parallel_loop3A_367, %parallel_loop3A_369 : vector<16xf32>
      %parallel_loop3A_371 = arith.addf %parallel_loop3A_370, %parallel_loop3A_342 : vector<16xf32>
      %parallel_loop3A_372 = arith.constant 64 : i32
      %parallel_loop3A_373 = arith.addi %parallel_loop3A_254, %parallel_loop3A_372 : i32
      %parallel_loop3A_374 = arith.constant 0 : i32
      %parallel_loop3A_375 = arith.index_cast %parallel_loop3A_374 : i32 to index
      %parallel_loop3A_376 = arith.index_cast %parallel_loop3A_373 : i32 to index
      %parallel_loop3A_377 = arith.constant 32 : index
      %parallel_loop3A_378 = tpu.vector_load %arg7[%parallel_loop3A_375, %parallel_loop3A_376, %parallel_loop3A_377] {strides = array<i32>} : memref<2x128x128xf32, #tpu.memory_space<vmem>>, vector<1x1x16xf32>,
      %parallel_loop3A_379 = vector.shape_cast %parallel_loop3A_378 : vector<1x1x16xf32> to vector<16xf32>
      %parallel_loop3A_380 = vector.shape_cast %parallel_loop3A_371 : vector<16xf32> to vector<1x1x16xf32>
      tpu.vector_store %arg7[%parallel_loop3A_375, %parallel_loop3A_376, %parallel_loop3A_377], %parallel_loop3A_380 {strides = array<i32>} : memref<2x128x128xf32, #tpu.memory_space<vmem>>, vector<1x1x16xf32>,
      %parallel_loop3A_381 = arith.index_cast %parallel_loop3A_254 : i32 to index
      %parallel_loop3A_382 = arith.constant 48 : index
      %parallel_loop3A_383 = tpu.vector_load %arg8[%parallel_loop3A_381, %parallel_loop3A_382] {strides = array<i32>} : memref<64x128xf32, #tpu.memory_space<vmem>>, vector<1x16xf32>,
      %parallel_loop3A_384 = vector.shape_cast %parallel_loop3A_383 : vector<1x16xf32> to vector<16xf32>
      %parallel_loop3A_385 = arith.constant 0 : i32
      %parallel_loop3A_386 = arith.index_cast %parallel_loop3A_385 : i32 to index
      %parallel_loop3A_387 = arith.index_cast %parallel_loop3A_254 : i32 to index
      %parallel_loop3A_388 = arith.constant 48 : index
      %parallel_loop3A_389 = tpu.vector_load %arg7[%parallel_loop3A_386, %parallel_loop3A_387, %parallel_loop3A_388] {strides = array<i32>} : memref<2x128x128xf32, #tpu.memory_space<vmem>>, vector<1x1x16xf32>,
      %parallel_loop3A_390 = vector.shape_cast %parallel_loop3A_389 : vector<1x1x16xf32> to vector<16xf32>
      %parallel_loop3A_391 = arith.constant 11.3137083 : f32
      %parallel_loop3A_392 = vector.broadcast %parallel_loop3A_391 : f32 to vector<16xf32>
      %parallel_loop3A_393 = arith.mulf %parallel_loop3A_390, %parallel_loop3A_392 : vector<16xf32>
      %parallel_loop3A_394 = arith.addf %parallel_loop3A_393, %parallel_loop3A_384 : vector<16xf32>
      %parallel_loop3A_395 = arith.constant 0 : i32
      %parallel_loop3A_396 = arith.index_cast %parallel_loop3A_395 : i32 to index
      %parallel_loop3A_397 = arith.index_cast %parallel_loop3A_254 : i32 to index
      %parallel_loop3A_398 = arith.constant 48 : index
      %parallel_loop3A_399 = tpu.vector_load %arg7[%parallel_loop3A_396, %parallel_loop3A_397, %parallel_loop3A_398] {strides = array<i32>} : memref<2x128x128xf32, #tpu.memory_space<vmem>>, vector<1x1x16xf32>,
      %parallel_loop3A_400 = vector.shape_cast %parallel_loop3A_399 : vector<1x1x16xf32> to vector<16xf32>
      %parallel_loop3A_401 = vector.shape_cast %parallel_loop3A_394 : vector<16xf32> to vector<1x1x16xf32>
      tpu.vector_store %arg7[%parallel_loop3A_396, %parallel_loop3A_397, %parallel_loop3A_398], %parallel_loop3A_401 {strides = array<i32>} : memref<2x128x128xf32, #tpu.memory_space<vmem>>, vector<1x1x16xf32>,
      %parallel_loop3A_402 = arith.constant 64 : i32
      %parallel_loop3A_403 = arith.addi %parallel_loop3A_254, %parallel_loop3A_402 : i32
      %parallel_loop3A_404 = arith.constant 0 : i32
      %parallel_loop3A_405 = arith.index_cast %parallel_loop3A_404 : i32 to index
      %parallel_loop3A_406 = arith.index_cast %parallel_loop3A_403 : i32 to index
      %parallel_loop3A_407 = arith.constant 48 : index
      %parallel_loop3A_408 = tpu.vector_load %arg7[%parallel_loop3A_405, %parallel_loop3A_406, %parallel_loop3A_407] {strides = array<i32>} : memref<2x128x128xf32, #tpu.memory_space<vmem>>, vector<1x1x16xf32>,
      %parallel_loop3A_409 = vector.shape_cast %parallel_loop3A_408 : vector<1x1x16xf32> to vector<16xf32>
      %parallel_loop3A_410 = arith.constant 11.3137083 : f32
      %parallel_loop3A_411 = vector.broadcast %parallel_loop3A_410 : f32 to vector<16xf32>
      %parallel_loop3A_412 = arith.mulf %parallel_loop3A_409, %parallel_loop3A_411 : vector<16xf32>
      %parallel_loop3A_413 = arith.addf %parallel_loop3A_412, %parallel_loop3A_384 : vector<16xf32>
      %parallel_loop3A_414 = arith.constant 64 : i32
      %parallel_loop3A_415 = arith.addi %parallel_loop3A_254, %parallel_loop3A_414 : i32
      %parallel_loop3A_416 = arith.constant 0 : i32
      %parallel_loop3A_417 = arith.index_cast %parallel_loop3A_416 : i32 to index
      %parallel_loop3A_418 = arith.index_cast %parallel_loop3A_415 : i32 to index
      %parallel_loop3A_419 = arith.constant 48 : index
      %parallel_loop3A_420 = tpu.vector_load %arg7[%parallel_loop3A_417, %parallel_loop3A_418, %parallel_loop3A_419] {strides = array<i32>} : memref<2x128x128xf32, #tpu.memory_space<vmem>>, vector<1x1x16xf32>,
      %parallel_loop3A_421 = vector.shape_cast %parallel_loop3A_420 : vector<1x1x16xf32> to vector<16xf32>
      %parallel_loop3A_422 = vector.shape_cast %parallel_loop3A_413 : vector<16xf32> to vector<1x1x16xf32>
      tpu.vector_store %arg7[%parallel_loop3A_417, %parallel_loop3A_418, %parallel_loop3A_419], %parallel_loop3A_422 {strides = array<i32>} : memref<2x128x128xf32, #tpu.memory_space<vmem>>, vector<1x1x16xf32>,
      %parallel_loop3A_423 = arith.index_cast %parallel_loop3A_254 : i32 to index
      %parallel_loop3A_424 = arith.constant 64 : index
      %parallel_loop3A_425 = tpu.vector_load %arg8[%parallel_loop3A_423, %parallel_loop3A_424] {strides = array<i32>} : memref<64x128xf32, #tpu.memory_space<vmem>>, vector<1x16xf32>,
      %parallel_loop3A_426 = vector.shape_cast %parallel_loop3A_425 : vector<1x16xf32> to vector<16xf32>
      %parallel_loop3A_427 = arith.constant 0 : i32
      %parallel_loop3A_428 = arith.index_cast %parallel_loop3A_427 : i32 to index
      %parallel_loop3A_429 = arith.index_cast %parallel_loop3A_254 : i32 to index
      %parallel_loop3A_430 = arith.constant 64 : index
      %parallel_loop3A_431 = tpu.vector_load %arg7[%parallel_loop3A_428, %parallel_loop3A_429, %parallel_loop3A_430] {strides = array<i32>} : memref<2x128x128xf32, #tpu.memory_space<vmem>>, vector<1x1x16xf32>,
      %parallel_loop3A_432 = vector.shape_cast %parallel_loop3A_431 : vector<1x1x16xf32> to vector<16xf32>
      %parallel_loop3A_433 = arith.constant 11.3137083 : f32
      %parallel_loop3A_434 = vector.broadcast %parallel_loop3A_433 : f32 to vector<16xf32>
      %parallel_loop3A_435 = arith.mulf %parallel_loop3A_432, %parallel_loop3A_434 : vector<16xf32>
      %parallel_loop3A_436 = arith.addf %parallel_loop3A_435, %parallel_loop3A_426 : vector<16xf32>
      %parallel_loop3A_437 = arith.constant 0 : i32
      %parallel_loop3A_438 = arith.index_cast %parallel_loop3A_437 : i32 to index
      %parallel_loop3A_439 = arith.index_cast %parallel_loop3A_254 : i32 to index
      %parallel_loop3A_440 = arith.constant 64 : index
      %parallel_loop3A_441 = tpu.vector_load %arg7[%parallel_loop3A_438, %parallel_loop3A_439, %parallel_loop3A_440] {strides = array<i32>} : memref<2x128x128xf32, #tpu.memory_space<vmem>>, vector<1x1x16xf32>,
      %parallel_loop3A_442 = vector.shape_cast %parallel_loop3A_441 : vector<1x1x16xf32> to vector<16xf32>
      %parallel_loop3A_443 = vector.shape_cast %parallel_loop3A_436 : vector<16xf32> to vector<1x1x16xf32>
      tpu.vector_store %arg7[%parallel_loop3A_438, %parallel_loop3A_439, %parallel_loop3A_440], %parallel_loop3A_443 {strides = array<i32>} : memref<2x128x128xf32, #tpu.memory_space<vmem>>, vector<1x1x16xf32>,
      %parallel_loop3A_444 = arith.constant 64 : i32
      %parallel_loop3A_445 = arith.addi %parallel_loop3A_254, %parallel_loop3A_444 : i32
      %parallel_loop3A_446 = arith.constant 0 : i32
      %parallel_loop3A_447 = arith.index_cast %parallel_loop3A_446 : i32 to index
      %parallel_loop3A_448 = arith.index_cast %parallel_loop3A_445 : i32 to index
      %parallel_loop3A_449 = arith.constant 64 : index
      %parallel_loop3A_450 = tpu.vector_load %arg7[%parallel_loop3A_447, %parallel_loop3A_448, %parallel_loop3A_449] {strides = array<i32>} : memref<2x128x128xf32, #tpu.memory_space<vmem>>, vector<1x1x16xf32>,
      %parallel_loop3A_451 = vector.shape_cast %parallel_loop3A_450 : vector<1x1x16xf32> to vector<16xf32>
      %parallel_loop3A_452 = arith.constant 11.3137083 : f32
      %parallel_loop3A_453 = vector.broadcast %parallel_loop3A_452 : f32 to vector<16xf32>
      %parallel_loop3A_454 = arith.mulf %parallel_loop3A_451, %parallel_loop3A_453 : vector<16xf32>
      %parallel_loop3A_455 = arith.addf %parallel_loop3A_454, %parallel_loop3A_426 : vector<16xf32>
      %parallel_loop3A_456 = arith.constant 64 : i32
      %parallel_loop3A_457 = arith.addi %parallel_loop3A_254, %parallel_loop3A_456 : i32
      %parallel_loop3A_458 = arith.constant 0 : i32
      %parallel_loop3A_459 = arith.index_cast %parallel_loop3A_458 : i32 to index
      %parallel_loop3A_460 = arith.index_cast %parallel_loop3A_457 : i32 to index
      %parallel_loop3A_461 = arith.constant 64 : index
      %parallel_loop3A_462 = tpu.vector_load %arg7[%parallel_loop3A_459, %parallel_loop3A_460, %parallel_loop3A_461] {strides = array<i32>} : memref<2x128x128xf32, #tpu.memory_space<vmem>>, vector<1x1x16xf32>,
      %parallel_loop3A_463 = vector.shape_cast %parallel_loop3A_462 : vector<1x1x16xf32> to vector<16xf32>
      %parallel_loop3A_464 = vector.shape_cast %parallel_loop3A_455 : vector<16xf32> to vector<1x1x16xf32>
      tpu.vector_store %arg7[%parallel_loop3A_459, %parallel_loop3A_460, %parallel_loop3A_461], %parallel_loop3A_464 {strides = array<i32>} : memref<2x128x128xf32, #tpu.memory_space<vmem>>, vector<1x1x16xf32>,
      %parallel_loop3A_465 = arith.index_cast %parallel_loop3A_254 : i32 to index
      %parallel_loop3A_466 = arith.constant 80 : index
      %parallel_loop3A_467 = tpu.vector_load %arg8[%parallel_loop3A_465, %parallel_loop3A_466] {strides = array<i32>} : memref<64x128xf32, #tpu.memory_space<vmem>>, vector<1x16xf32>,
      %parallel_loop3A_468 = vector.shape_cast %parallel_loop3A_467 : vector<1x16xf32> to vector<16xf32>
      %parallel_loop3A_469 = arith.constant 0 : i32
      %parallel_loop3A_470 = arith.index_cast %parallel_loop3A_469 : i32 to index
      %parallel_loop3A_471 = arith.index_cast %parallel_loop3A_254 : i32 to index
      %parallel_loop3A_472 = arith.constant 80 : index
      %parallel_loop3A_473 = tpu.vector_load %arg7[%parallel_loop3A_470, %parallel_loop3A_471, %parallel_loop3A_472] {strides = array<i32>} : memref<2x128x128xf32, #tpu.memory_space<vmem>>, vector<1x1x16xf32>,
      %parallel_loop3A_474 = vector.shape_cast %parallel_loop3A_473 : vector<1x1x16xf32> to vector<16xf32>
      %parallel_loop3A_475 = arith.constant 11.3137083 : f32
      %parallel_loop3A_476 = vector.broadcast %parallel_loop3A_475 : f32 to vector<16xf32>
      %parallel_loop3A_477 = arith.mulf %parallel_loop3A_474, %parallel_loop3A_476 : vector<16xf32>
      %parallel_loop3A_478 = arith.addf %parallel_loop3A_477, %parallel_loop3A_468 : vector<16xf32>
      %parallel_loop3A_479 = arith.constant 0 : i32
      %parallel_loop3A_480 = arith.index_cast %parallel_loop3A_479 : i32 to index
      %parallel_loop3A_481 = arith.index_cast %parallel_loop3A_254 : i32 to index
      %parallel_loop3A_482 = arith.constant 80 : index
      %parallel_loop3A_483 = tpu.vector_load %arg7[%parallel_loop3A_480, %parallel_loop3A_481, %parallel_loop3A_482] {strides = array<i32>} : memref<2x128x128xf32, #tpu.memory_space<vmem>>, vector<1x1x16xf32>,
      %parallel_loop3A_484 = vector.shape_cast %parallel_loop3A_483 : vector<1x1x16xf32> to vector<16xf32>
      %parallel_loop3A_485 = vector.shape_cast %parallel_loop3A_478 : vector<16xf32> to vector<1x1x16xf32>
      tpu.vector_store %arg7[%parallel_loop3A_480, %parallel_loop3A_481, %parallel_loop3A_482], %parallel_loop3A_485 {strides = array<i32>} : memref<2x128x128xf32, #tpu.memory_space<vmem>>, vector<1x1x16xf32>,
      %parallel_loop3A_486 = arith.constant 64 : i32
      %parallel_loop3A_487 = arith.addi %parallel_loop3A_254, %parallel_loop3A_486 : i32
      %parallel_loop3A_488 = arith.constant 0 : i32
      %parallel_loop3A_489 = arith.index_cast %parallel_loop3A_488 : i32 to index
      %parallel_loop3A_490 = arith.index_cast %parallel_loop3A_487 : i32 to index
      %parallel_loop3A_491 = arith.constant 80 : index
      %parallel_loop3A_492 = tpu.vector_load %arg7[%parallel_loop3A_489, %parallel_loop3A_490, %parallel_loop3A_491] {strides = array<i32>} : memref<2x128x128xf32, #tpu.memory_space<vmem>>, vector<1x1x16xf32>,
      %parallel_loop3A_493 = vector.shape_cast %parallel_loop3A_492 : vector<1x1x16xf32> to vector<16xf32>
      %parallel_loop3A_494 = arith.constant 11.3137083 : f32
      %parallel_loop3A_495 = vector.broadcast %parallel_loop3A_494 : f32 to vector<16xf32>
      %parallel_loop3A_496 = arith.mulf %parallel_loop3A_493, %parallel_loop3A_495 : vector<16xf32>
      %parallel_loop3A_497 = arith.addf %parallel_loop3A_496, %parallel_loop3A_468 : vector<16xf32>
      %parallel_loop3A_498 = arith.constant 64 : i32
      %parallel_loop3A_499 = arith.addi %parallel_loop3A_254, %parallel_loop3A_498 : i32
      %parallel_loop3A_500 = arith.constant 0 : i32
      %parallel_loop3A_501 = arith.index_cast %parallel_loop3A_500 : i32 to index
      %parallel_loop3A_502 = arith.index_cast %parallel_loop3A_499 : i32 to index
      %parallel_loop3A_503 = arith.constant 80 : index
      %parallel_loop3A_504 = tpu.vector_load %arg7[%parallel_loop3A_501, %parallel_loop3A_502, %parallel_loop3A_503] {strides = array<i32>} : memref<2x128x128xf32, #tpu.memory_space<vmem>>, vector<1x1x16xf32>,
      %parallel_loop3A_505 = vector.shape_cast %parallel_loop3A_504 : vector<1x1x16xf32> to vector<16xf32>
      %parallel_loop3A_506 = vector.shape_cast %parallel_loop3A_497 : vector<16xf32> to vector<1x1x16xf32>
      tpu.vector_store %arg7[%parallel_loop3A_501, %parallel_loop3A_502, %parallel_loop3A_503], %parallel_loop3A_506 {strides = array<i32>} : memref<2x128x128xf32, #tpu.memory_space<vmem>>, vector<1x1x16xf32>,
      %parallel_loop3A_507 = arith.index_cast %parallel_loop3A_254 : i32 to index
      %parallel_loop3A_508 = arith.constant 96 : index
      %parallel_loop3A_509 = tpu.vector_load %arg8[%parallel_loop3A_507, %parallel_loop3A_508] {strides = array<i32>} : memref<64x128xf32, #tpu.memory_space<vmem>>, vector<1x16xf32>,
      %parallel_loop3A_510 = vector.shape_cast %parallel_loop3A_509 : vector<1x16xf32> to vector<16xf32>
      %parallel_loop3A_511 = arith.constant 0 : i32
      %parallel_loop3A_512 = arith.index_cast %parallel_loop3A_511 : i32 to index
      %parallel_loop3A_513 = arith.index_cast %parallel_loop3A_254 : i32 to index
      %parallel_loop3A_514 = arith.constant 96 : index
      %parallel_loop3A_515 = tpu.vector_load %arg7[%parallel_loop3A_512, %parallel_loop3A_513, %parallel_loop3A_514] {strides = array<i32>} : memref<2x128x128xf32, #tpu.memory_space<vmem>>, vector<1x1x16xf32>,
      %parallel_loop3A_516 = vector.shape_cast %parallel_loop3A_515 : vector<1x1x16xf32> to vector<16xf32>
      %parallel_loop3A_517 = arith.constant 11.3137083 : f32
      %parallel_loop3A_518 = vector.broadcast %parallel_loop3A_517 : f32 to vector<16xf32>
      %parallel_loop3A_519 = arith.mulf %parallel_loop3A_516, %parallel_loop3A_518 : vector<16xf32>
      %parallel_loop3A_520 = arith.addf %parallel_loop3A_519, %parallel_loop3A_510 : vector<16xf32>
      %parallel_loop3A_521 = arith.constant 0 : i32
      %parallel_loop3A_522 = arith.index_cast %parallel_loop3A_521 : i32 to index
      %parallel_loop3A_523 = arith.index_cast %parallel_loop3A_254 : i32 to index
      %parallel_loop3A_524 = arith.constant 96 : index
      %parallel_loop3A_525 = tpu.vector_load %arg7[%parallel_loop3A_522, %parallel_loop3A_523, %parallel_loop3A_524] {strides = array<i32>} : memref<2x128x128xf32, #tpu.memory_space<vmem>>, vector<1x1x16xf32>,
      %parallel_loop3A_526 = vector.shape_cast %parallel_loop3A_525 : vector<1x1x16xf32> to vector<16xf32>
      %parallel_loop3A_527 = vector.shape_cast %parallel_loop3A_520 : vector<16xf32> to vector<1x1x16xf32>
      tpu.vector_store %arg7[%parallel_loop3A_522, %parallel_loop3A_523, %parallel_loop3A_524], %parallel_loop3A_527 {strides = array<i32>} : memref<2x128x128xf32, #tpu.memory_space<vmem>>, vector<1x1x16xf32>,
      %parallel_loop3A_528 = arith.constant 64 : i32
      %parallel_loop3A_529 = arith.addi %parallel_loop3A_254, %parallel_loop3A_528 : i32
      %parallel_loop3A_530 = arith.constant 0 : i32
      %parallel_loop3A_531 = arith.index_cast %parallel_loop3A_530 : i32 to index
      %parallel_loop3A_532 = arith.index_cast %parallel_loop3A_529 : i32 to index
      %parallel_loop3A_533 = arith.constant 96 : index
      %parallel_loop3A_534 = tpu.vector_load %arg7[%parallel_loop3A_531, %parallel_loop3A_532, %parallel_loop3A_533] {strides = array<i32>} : memref<2x128x128xf32, #tpu.memory_space<vmem>>, vector<1x1x16xf32>,
      %parallel_loop3A_535 = vector.shape_cast %parallel_loop3A_534 : vector<1x1x16xf32> to vector<16xf32>
      %parallel_loop3A_536 = arith.constant 11.3137083 : f32
      %parallel_loop3A_537 = vector.broadcast %parallel_loop3A_536 : f32 to vector<16xf32>
      %parallel_loop3A_538 = arith.mulf %parallel_loop3A_535, %parallel_loop3A_537 : vector<16xf32>
      %parallel_loop3A_539 = arith.addf %parallel_loop3A_538, %parallel_loop3A_510 : vector<16xf32>
      %parallel_loop3A_540 = arith.constant 64 : i32
      %parallel_loop3A_541 = arith.addi %parallel_loop3A_254, %parallel_loop3A_540 : i32
      %parallel_loop3A_542 = arith.constant 0 : i32
      %parallel_loop3A_543 = arith.index_cast %parallel_loop3A_542 : i32 to index
      %parallel_loop3A_544 = arith.index_cast %parallel_loop3A_541 : i32 to index
      %parallel_loop3A_545 = arith.constant 96 : index
      %parallel_loop3A_546 = tpu.vector_load %arg7[%parallel_loop3A_543, %parallel_loop3A_544, %parallel_loop3A_545] {strides = array<i32>} : memref<2x128x128xf32, #tpu.memory_space<vmem>>, vector<1x1x16xf32>,
      %parallel_loop3A_547 = vector.shape_cast %parallel_loop3A_546 : vector<1x1x16xf32> to vector<16xf32>
      %parallel_loop3A_548 = vector.shape_cast %parallel_loop3A_539 : vector<16xf32> to vector<1x1x16xf32>
      tpu.vector_store %arg7[%parallel_loop3A_543, %parallel_loop3A_544, %parallel_loop3A_545], %parallel_loop3A_548 {strides = array<i32>} : memref<2x128x128xf32, #tpu.memory_space<vmem>>, vector<1x1x16xf32>,
      %parallel_loop3A_549 = arith.index_cast %parallel_loop3A_254 : i32 to index
      %parallel_loop3A_550 = arith.constant 112 : index
      %parallel_loop3A_551 = tpu.vector_load %arg8[%parallel_loop3A_549, %parallel_loop3A_550] {strides = array<i32>} : memref<64x128xf32, #tpu.memory_space<vmem>>, vector<1x16xf32>,
      %parallel_loop3A_552 = vector.shape_cast %parallel_loop3A_551 : vector<1x16xf32> to vector<16xf32>
      %parallel_loop3A_553 = arith.constant 0 : i32
      %parallel_loop3A_554 = arith.index_cast %parallel_loop3A_553 : i32 to index
      %parallel_loop3A_555 = arith.index_cast %parallel_loop3A_254 : i32 to index
      %parallel_loop3A_556 = arith.constant 112 : index
      %parallel_loop3A_557 = tpu.vector_load %arg7[%parallel_loop3A_554, %parallel_loop3A_555, %parallel_loop3A_556] {strides = array<i32>} : memref<2x128x128xf32, #tpu.memory_space<vmem>>, vector<1x1x16xf32>,
      %parallel_loop3A_558 = vector.shape_cast %parallel_loop3A_557 : vector<1x1x16xf32> to vector<16xf32>
      %parallel_loop3A_559 = arith.constant 11.3137083 : f32
      %parallel_loop3A_560 = vector.broadcast %parallel_loop3A_559 : f32 to vector<16xf32>
      %parallel_loop3A_561 = arith.mulf %parallel_loop3A_558, %parallel_loop3A_560 : vector<16xf32>
      %parallel_loop3A_562 = arith.addf %parallel_loop3A_561, %parallel_loop3A_552 : vector<16xf32>
      %parallel_loop3A_563 = arith.constant 0 : i32
      %parallel_loop3A_564 = arith.index_cast %parallel_loop3A_563 : i32 to index
      %parallel_loop3A_565 = arith.index_cast %parallel_loop3A_254 : i32 to index
      %parallel_loop3A_566 = arith.constant 112 : index
      %parallel_loop3A_567 = tpu.vector_load %arg7[%parallel_loop3A_564, %parallel_loop3A_565, %parallel_loop3A_566] {strides = array<i32>} : memref<2x128x128xf32, #tpu.memory_space<vmem>>, vector<1x1x16xf32>,
      %parallel_loop3A_568 = vector.shape_cast %parallel_loop3A_567 : vector<1x1x16xf32> to vector<16xf32>
      %parallel_loop3A_569 = vector.shape_cast %parallel_loop3A_562 : vector<16xf32> to vector<1x1x16xf32>
      tpu.vector_store %arg7[%parallel_loop3A_564, %parallel_loop3A_565, %parallel_loop3A_566], %parallel_loop3A_569 {strides = array<i32>} : memref<2x128x128xf32, #tpu.memory_space<vmem>>, vector<1x1x16xf32>,
      %parallel_loop3A_570 = arith.constant 64 : i32
      %parallel_loop3A_571 = arith.addi %parallel_loop3A_254, %parallel_loop3A_570 : i32
      %parallel_loop3A_572 = arith.constant 0 : i32
      %parallel_loop3A_573 = arith.index_cast %parallel_loop3A_572 : i32 to index
      %parallel_loop3A_574 = arith.index_cast %parallel_loop3A_571 : i32 to index
      %parallel_loop3A_575 = arith.constant 112 : index
      %parallel_loop3A_576 = tpu.vector_load %arg7[%parallel_loop3A_573, %parallel_loop3A_574, %parallel_loop3A_575] {strides = array<i32>} : memref<2x128x128xf32, #tpu.memory_space<vmem>>, vector<1x1x16xf32>,
      %parallel_loop3A_577 = vector.shape_cast %parallel_loop3A_576 : vector<1x1x16xf32> to vector<16xf32>
      %parallel_loop3A_578 = arith.constant 11.3137083 : f32
      %parallel_loop3A_579 = vector.broadcast %parallel_loop3A_578 : f32 to vector<16xf32>
      %parallel_loop3A_580 = arith.mulf %parallel_loop3A_577, %parallel_loop3A_579 : vector<16xf32>
      %parallel_loop3A_581 = arith.addf %parallel_loop3A_580, %parallel_loop3A_552 : vector<16xf32>
      %parallel_loop3A_582 = arith.constant 64 : i32
      %parallel_loop3A_583 = arith.addi %parallel_loop3A_254, %parallel_loop3A_582 : i32
      %parallel_loop3A_584 = arith.constant 0 : i32
      %parallel_loop3A_585 = arith.index_cast %parallel_loop3A_584 : i32 to index
      %parallel_loop3A_586 = arith.index_cast %parallel_loop3A_583 : i32 to index
      %parallel_loop3A_587 = arith.constant 112 : index
      %parallel_loop3A_588 = tpu.vector_load %arg7[%parallel_loop3A_585, %parallel_loop3A_586, %parallel_loop3A_587] {strides = array<i32>} : memref<2x128x128xf32, #tpu.memory_space<vmem>>, vector<1x1x16xf32>,
      %parallel_loop3A_589 = vector.shape_cast %parallel_loop3A_588 : vector<1x1x16xf32> to vector<16xf32>
      %parallel_loop3A_590 = vector.shape_cast %parallel_loop3A_581 : vector<16xf32> to vector<1x1x16xf32>
      tpu.vector_store %arg7[%parallel_loop3A_585, %parallel_loop3A_586, %parallel_loop3A_587], %parallel_loop3A_590 {strides = array<i32>} : memref<2x128x128xf32, #tpu.memory_space<vmem>>, vector<1x1x16xf32>,
    } {sc.loop_unroll_factor = 1 : i64, sc.parallel_access}
    %dma_start3A_113 = arith.constant 0 : i32
    %dma_start3A_114 = arith.constant 0 : i32
    %dma_start3A_115 = arith.constant 0 : i32
    %dma_start3A_116 = arith.constant 0 : i32
    %dma_start3A_117 = tpu.memref_slice %arg7[%dma_start3A_113, %dma_start3A_115, %dma_start3A_116] : memref<2x128x128xf32, #tpu.memory_space<vmem>> -> memref<1x64x128xf32, #tpu.memory_space<vmem>>
    %dma_start3A_118 = tpu.memref_squeeze %dma_start3A_117 : memref<1x64x128xf32, #tpu.memory_space<vmem>> -> memref<64x128xf32, #tpu.memory_space<vmem>>
    %dma_start3A_119 = arith.constant 0 : i32
    %dma_start3A_120 = tpu.memref_slice %arg5[%dma_start3A_114, %mul3A_2, %dma_start3A_119] : memref<4x2048x128xf32, #tpu.memory_space<hbm>> -> memref<1x64x128xf32, #tpu.memory_space<hbm>>
    %dma_start3A_121 = tpu.memref_squeeze %dma_start3A_120 : memref<1x64x128xf32, #tpu.memory_space<hbm>> -> memref<64x128xf32, #tpu.memory_space<hbm>>
    %dma_start3A_122 = arith.constant 0 : i32
    %dma_start3A_123 = tpu.memref_slice %arg5[%dma_start3A_114, %mul3A_2, %dma_start3A_122] : memref<4x2048x128xf32, #tpu.memory_space<hbm>> -> memref<1x64x128xf32, #tpu.memory_space<hbm>>
    %dma_start3A_124 = tpu.memref_squeeze %dma_start3A_123 : memref<1x64x128xf32, #tpu.memory_space<hbm>> -> memref<64x128xf32, #tpu.memory_space<hbm>>
    %dma_start3A_125 = arith.constant 0 : i32
    %dma_start3A_126 = arith.constant 0 : i32
    %dma_start3A_127 = tpu.memref_slice %arg7[%dma_start3A_113, %dma_start3A_125, %dma_start3A_126] : memref<2x128x128xf32, #tpu.memory_space<vmem>> -> memref<1x64x128xf32, #tpu.memory_space<vmem>>
    %dma_start3A_128 = tpu.memref_squeeze %dma_start3A_127 : memref<1x64x128xf32, #tpu.memory_space<vmem>> -> memref<64x128xf32, #tpu.memory_space<vmem>>
    tpu.enqueue_dma source(%dma_start3A_128 : memref<64x128xf32, #tpu.memory_space<vmem>>) target(%dma_start3A_124 : memref<64x128xf32, #tpu.memory_space<hbm>>) target_semaphore(%arg12 : memref<!tpu.dma_semaphore, #tpu.memory_space<semaphore_mem>>)
    %dma_start3A_129 = arith.constant 0 : i32
    %dma_start3A_130 = arith.constant 1 : i32
    %dma_start3A_131 = arith.constant 64 : i32
    %dma_start3A_132 = arith.constant 0 : i32
    %dma_start3A_133 = tpu.memref_slice %arg7[%dma_start3A_129, %dma_start3A_131, %dma_start3A_132] : memref<2x128x128xf32, #tpu.memory_space<vmem>> -> memref<1x64x128xf32, #tpu.memory_space<vmem>>
    %dma_start3A_134 = tpu.memref_squeeze %dma_start3A_133 : memref<1x64x128xf32, #tpu.memory_space<vmem>> -> memref<64x128xf32, #tpu.memory_space<vmem>>
    %dma_start3A_135 = arith.constant 0 : i32
    %dma_start3A_136 = tpu.memref_slice %arg5[%dma_start3A_130, %mul3A_2, %dma_start3A_135] : memref<4x2048x128xf32, #tpu.memory_space<hbm>> -> memref<1x64x128xf32, #tpu.memory_space<hbm>>
    %dma_start3A_137 = tpu.memref_squeeze %dma_start3A_136 : memref<1x64x128xf32, #tpu.memory_space<hbm>> -> memref<64x128xf32, #tpu.memory_space<hbm>>
    %dma_start3A_138 = arith.constant 0 : i32
    %dma_start3A_139 = tpu.memref_slice %arg5[%dma_start3A_130, %mul3A_2, %dma_start3A_138] : memref<4x2048x128xf32, #tpu.memory_space<hbm>> -> memref<1x64x128xf32, #tpu.memory_space<hbm>>
    %dma_start3A_140 = tpu.memref_squeeze %dma_start3A_139 : memref<1x64x128xf32, #tpu.memory_space<hbm>> -> memref<64x128xf32, #tpu.memory_space<hbm>>
    %dma_start3A_141 = arith.constant 64 : i32
    %dma_start3A_142 = arith.constant 0 : i32
    %dma_start3A_143 = tpu.memref_slice %arg7[%dma_start3A_129, %dma_start3A_141, %dma_start3A_142] : memref<2x128x128xf32, #tpu.memory_space<vmem>> -> memref<1x64x128xf32, #tpu.memory_space<vmem>>
    %dma_start3A_144 = tpu.memref_squeeze %dma_start3A_143 : memref<1x64x128xf32, #tpu.memory_space<vmem>> -> memref<64x128xf32, #tpu.memory_space<vmem>>
    tpu.enqueue_dma source(%dma_start3A_144 : memref<64x128xf32, #tpu.memory_space<vmem>>) target(%dma_start3A_140 : memref<64x128xf32, #tpu.memory_space<hbm>>) target_semaphore(%arg12 : memref<!tpu.dma_semaphore, #tpu.memory_space<semaphore_mem>>)
    %dma_wait3A_145 = arith.constant 1 : i32
    %dma_wait3A_146 = arith.constant 0 : i32
    %dma_wait3A_147 = arith.constant 0 : i32
    %dma_wait3A_148 = tpu.memref_slice %arg7[%dma_wait3A_145, %dma_wait3A_146, %dma_wait3A_147] : memref<2x128x128xf32, #tpu.memory_space<vmem>> -> memref<1x128x128xf32, #tpu.memory_space<vmem>>
    %dma_wait3A_149 = tpu.memref_squeeze %dma_wait3A_148 : memref<1x128x128xf32, #tpu.memory_space<vmem>> -> memref<128x128xf32, #tpu.memory_space<vmem>>
    %dma_wait3A_150 = arith.constant 128 : i32
    %dma_wait3A_151 = tpu.memref_slice %arg6[%dma_wait3A_150] : memref<256xi32, #tpu.memory_space<vmem>> -> memref<128xi32, #tpu.memory_space<vmem>>
    %dma_wait3A_152 = arith.constant 0 : i32
    %dma_wait3A_153 = arith.constant 0 : i32
    %dma_wait3A_154 = tpu.memref_slice %arg3[%dma_wait3A_152, %dma_wait3A_153] : memref<100000x128xf32, #tpu.memory_space<hbm>> -> memref<100000x128xf32, #tpu.memory_space<hbm>>
    tpu.wait_indirect_dma semaphore(%arg11 : memref<!tpu.dma_semaphore, #tpu.memory_space<semaphore_mem>>) src(%dma_wait3A_154 : memref<100000x128xf32, #tpu.memory_space<hbm>>) dst(%dma_wait3A_149 : memref<128x128xf32, #tpu.memory_space<vmem>>)
    %parallel_loop3A_155 = arith.constant 0 : i32
    %parallel_loop3A_156 = arith.constant 64 : i32
    %parallel_loop3A_157 = arith.constant 1 : i32
    scf.for %parallel_loop3A_254 = %parallel_loop3A_155 to %parallel_loop3A_156 step %parallel_loop3A_157  : i32 {
      %parallel_loop3A_255 = arith.index_cast %parallel_loop3A_254 : i32 to index
      %parallel_loop3A_256 = arith.constant 0 : index
      %parallel_loop3A_257 = tpu.vector_load %arg8[%parallel_loop3A_255, %parallel_loop3A_256] {strides = array<i32>} : memref<64x128xf32, #tpu.memory_space<vmem>>, vector<1x16xf32>,
      %parallel_loop3A_258 = vector.shape_cast %parallel_loop3A_257 : vector<1x16xf32> to vector<16xf32>
      %parallel_loop3A_259 = arith.constant 1 : i32
      %parallel_loop3A_260 = arith.index_cast %parallel_loop3A_259 : i32 to index
      %parallel_loop3A_261 = arith.index_cast %parallel_loop3A_254 : i32 to index
      %parallel_loop3A_262 = arith.constant 0 : index
      %parallel_loop3A_263 = tpu.vector_load %arg7[%parallel_loop3A_260, %parallel_loop3A_261, %parallel_loop3A_262] {strides = array<i32>} : memref<2x128x128xf32, #tpu.memory_space<vmem>>, vector<1x1x16xf32>,
      %parallel_loop3A_264 = vector.shape_cast %parallel_loop3A_263 : vector<1x1x16xf32> to vector<16xf32>
      %parallel_loop3A_265 = arith.constant 11.3137083 : f32
      %parallel_loop3A_266 = vector.broadcast %parallel_loop3A_265 : f32 to vector<16xf32>
      %parallel_loop3A_267 = arith.mulf %parallel_loop3A_264, %parallel_loop3A_266 : vector<16xf32>
      %parallel_loop3A_268 = arith.addf %parallel_loop3A_267, %parallel_loop3A_258 : vector<16xf32>
      %parallel_loop3A_269 = arith.constant 1 : i32
      %parallel_loop3A_270 = arith.index_cast %parallel_loop3A_269 : i32 to index
      %parallel_loop3A_271 = arith.index_cast %parallel_loop3A_254 : i32 to index
      %parallel_loop3A_272 = arith.constant 0 : index
      %parallel_loop3A_273 = tpu.vector_load %arg7[%parallel_loop3A_270, %parallel_loop3A_271, %parallel_loop3A_272] {strides = array<i32>} : memref<2x128x128xf32, #tpu.memory_space<vmem>>, vector<1x1x16xf32>,
      %parallel_loop3A_274 = vector.shape_cast %parallel_loop3A_273 : vector<1x1x16xf32> to vector<16xf32>
      %parallel_loop3A_275 = vector.shape_cast %parallel_loop3A_268 : vector<16xf32> to vector<1x1x16xf32>
      tpu.vector_store %arg7[%parallel_loop3A_270, %parallel_loop3A_271, %parallel_loop3A_272], %parallel_loop3A_275 {strides = array<i32>} : memref<2x128x128xf32, #tpu.memory_space<vmem>>, vector<1x1x16xf32>,
      %parallel_loop3A_276 = arith.constant 64 : i32
      %parallel_loop3A_277 = arith.addi %parallel_loop3A_254, %parallel_loop3A_276 : i32
      %parallel_loop3A_278 = arith.constant 1 : i32
      %parallel_loop3A_279 = arith.index_cast %parallel_loop3A_278 : i32 to index
      %parallel_loop3A_280 = arith.index_cast %parallel_loop3A_277 : i32 to index
      %parallel_loop3A_281 = arith.constant 0 : index
      %parallel_loop3A_282 = tpu.vector_load %arg7[%parallel_loop3A_279, %parallel_loop3A_280, %parallel_loop3A_281] {strides = array<i32>} : memref<2x128x128xf32, #tpu.memory_space<vmem>>, vector<1x1x16xf32>,
      %parallel_loop3A_283 = vector.shape_cast %parallel_loop3A_282 : vector<1x1x16xf32> to vector<16xf32>
      %parallel_loop3A_284 = arith.constant 11.3137083 : f32
      %parallel_loop3A_285 = vector.broadcast %parallel_loop3A_284 : f32 to vector<16xf32>
      %parallel_loop3A_286 = arith.mulf %parallel_loop3A_283, %parallel_loop3A_285 : vector<16xf32>
      %parallel_loop3A_287 = arith.addf %parallel_loop3A_286, %parallel_loop3A_258 : vector<16xf32>
      %parallel_loop3A_288 = arith.constant 64 : i32
      %parallel_loop3A_289 = arith.addi %parallel_loop3A_254, %parallel_loop3A_288 : i32
      %parallel_loop3A_290 = arith.constant 1 : i32
      %parallel_loop3A_291 = arith.index_cast %parallel_loop3A_290 : i32 to index
      %parallel_loop3A_292 = arith.index_cast %parallel_loop3A_289 : i32 to index
      %parallel_loop3A_293 = arith.constant 0 : index
      %parallel_loop3A_294 = tpu.vector_load %arg7[%parallel_loop3A_291, %parallel_loop3A_292, %parallel_loop3A_293] {strides = array<i32>} : memref<2x128x128xf32, #tpu.memory_space<vmem>>, vector<1x1x16xf32>,
      %parallel_loop3A_295 = vector.shape_cast %parallel_loop3A_294 : vector<1x1x16xf32> to vector<16xf32>
      %parallel_loop3A_296 = vector.shape_cast %parallel_loop3A_287 : vector<16xf32> to vector<1x1x16xf32>
      tpu.vector_store %arg7[%parallel_loop3A_291, %parallel_loop3A_292, %parallel_loop3A_293], %parallel_loop3A_296 {strides = array<i32>} : memref<2x128x128xf32, #tpu.memory_space<vmem>>, vector<1x1x16xf32>,
      %parallel_loop3A_297 = arith.index_cast %parallel_loop3A_254 : i32 to index
      %parallel_loop3A_298 = arith.constant 16 : index
      %parallel_loop3A_299 = tpu.vector_load %arg8[%parallel_loop3A_297, %parallel_loop3A_298] {strides = array<i32>} : memref<64x128xf32, #tpu.memory_space<vmem>>, vector<1x16xf32>,
      %parallel_loop3A_300 = vector.shape_cast %parallel_loop3A_299 : vector<1x16xf32> to vector<16xf32>
      %parallel_loop3A_301 = arith.constant 1 : i32
      %parallel_loop3A_302 = arith.index_cast %parallel_loop3A_301 : i32 to index
      %parallel_loop3A_303 = arith.index_cast %parallel_loop3A_254 : i32 to index
      %parallel_loop3A_304 = arith.constant 16 : index
      %parallel_loop3A_305 = tpu.vector_load %arg7[%parallel_loop3A_302, %parallel_loop3A_303, %parallel_loop3A_304] {strides = array<i32>} : memref<2x128x128xf32, #tpu.memory_space<vmem>>, vector<1x1x16xf32>,
      %parallel_loop3A_306 = vector.shape_cast %parallel_loop3A_305 : vector<1x1x16xf32> to vector<16xf32>
      %parallel_loop3A_307 = arith.constant 11.3137083 : f32
      %parallel_loop3A_308 = vector.broadcast %parallel_loop3A_307 : f32 to vector<16xf32>
      %parallel_loop3A_309 = arith.mulf %parallel_loop3A_306, %parallel_loop3A_308 : vector<16xf32>
      %parallel_loop3A_310 = arith.addf %parallel_loop3A_309, %parallel_loop3A_300 : vector<16xf32>
      %parallel_loop3A_311 = arith.constant 1 : i32
      %parallel_loop3A_312 = arith.index_cast %parallel_loop3A_311 : i32 to index
      %parallel_loop3A_313 = arith.index_cast %parallel_loop3A_254 : i32 to index
      %parallel_loop3A_314 = arith.constant 16 : index
      %parallel_loop3A_315 = tpu.vector_load %arg7[%parallel_loop3A_312, %parallel_loop3A_313, %parallel_loop3A_314] {strides = array<i32>} : memref<2x128x128xf32, #tpu.memory_space<vmem>>, vector<1x1x16xf32>,
      %parallel_loop3A_316 = vector.shape_cast %parallel_loop3A_315 : vector<1x1x16xf32> to vector<16xf32>
      %parallel_loop3A_317 = vector.shape_cast %parallel_loop3A_310 : vector<16xf32> to vector<1x1x16xf32>
      tpu.vector_store %arg7[%parallel_loop3A_312, %parallel_loop3A_313, %parallel_loop3A_314], %parallel_loop3A_317 {strides = array<i32>} : memref<2x128x128xf32, #tpu.memory_space<vmem>>, vector<1x1x16xf32>,
      %parallel_loop3A_318 = arith.constant 64 : i32
      %parallel_loop3A_319 = arith.addi %parallel_loop3A_254, %parallel_loop3A_318 : i32
      %parallel_loop3A_320 = arith.constant 1 : i32
      %parallel_loop3A_321 = arith.index_cast %parallel_loop3A_320 : i32 to index
      %parallel_loop3A_322 = arith.index_cast %parallel_loop3A_319 : i32 to index
      %parallel_loop3A_323 = arith.constant 16 : index
      %parallel_loop3A_324 = tpu.vector_load %arg7[%parallel_loop3A_321, %parallel_loop3A_322, %parallel_loop3A_323] {strides = array<i32>} : memref<2x128x128xf32, #tpu.memory_space<vmem>>, vector<1x1x16xf32>,
      %parallel_loop3A_325 = vector.shape_cast %parallel_loop3A_324 : vector<1x1x16xf32> to vector<16xf32>
      %parallel_loop3A_326 = arith.constant 11.3137083 : f32
      %parallel_loop3A_327 = vector.broadcast %parallel_loop3A_326 : f32 to vector<16xf32>
      %parallel_loop3A_328 = arith.mulf %parallel_loop3A_325, %parallel_loop3A_327 : vector<16xf32>
      %parallel_loop3A_329 = arith.addf %parallel_loop3A_328, %parallel_loop3A_300 : vector<16xf32>
      %parallel_loop3A_330 = arith.constant 64 : i32
      %parallel_loop3A_331 = arith.addi %parallel_loop3A_254, %parallel_loop3A_330 : i32
      %parallel_loop3A_332 = arith.constant 1 : i32
      %parallel_loop3A_333 = arith.index_cast %parallel_loop3A_332 : i32 to index
      %parallel_loop3A_334 = arith.index_cast %parallel_loop3A_331 : i32 to index
      %parallel_loop3A_335 = arith.constant 16 : index
      %parallel_loop3A_336 = tpu.vector_load %arg7[%parallel_loop3A_333, %parallel_loop3A_334, %parallel_loop3A_335] {strides = array<i32>} : memref<2x128x128xf32, #tpu.memory_space<vmem>>, vector<1x1x16xf32>,
      %parallel_loop3A_337 = vector.shape_cast %parallel_loop3A_336 : vector<1x1x16xf32> to vector<16xf32>
      %parallel_loop3A_338 = vector.shape_cast %parallel_loop3A_329 : vector<16xf32> to vector<1x1x16xf32>
      tpu.vector_store %arg7[%parallel_loop3A_333, %parallel_loop3A_334, %parallel_loop3A_335], %parallel_loop3A_338 {strides = array<i32>} : memref<2x128x128xf32, #tpu.memory_space<vmem>>, vector<1x1x16xf32>,
      %parallel_loop3A_339 = arith.index_cast %parallel_loop3A_254 : i32 to index
      %parallel_loop3A_340 = arith.constant 32 : index
      %parallel_loop3A_341 = tpu.vector_load %arg8[%parallel_loop3A_339, %parallel_loop3A_340] {strides = array<i32>} : memref<64x128xf32, #tpu.memory_space<vmem>>, vector<1x16xf32>,
      %parallel_loop3A_342 = vector.shape_cast %parallel_loop3A_341 : vector<1x16xf32> to vector<16xf32>
      %parallel_loop3A_343 = arith.constant 1 : i32
      %parallel_loop3A_344 = arith.index_cast %parallel_loop3A_343 : i32 to index
      %parallel_loop3A_345 = arith.index_cast %parallel_loop3A_254 : i32 to index
      %parallel_loop3A_346 = arith.constant 32 : index
      %parallel_loop3A_347 = tpu.vector_load %arg7[%parallel_loop3A_344, %parallel_loop3A_345, %parallel_loop3A_346] {strides = array<i32>} : memref<2x128x128xf32, #tpu.memory_space<vmem>>, vector<1x1x16xf32>,
      %parallel_loop3A_348 = vector.shape_cast %parallel_loop3A_347 : vector<1x1x16xf32> to vector<16xf32>
      %parallel_loop3A_349 = arith.constant 11.3137083 : f32
      %parallel_loop3A_350 = vector.broadcast %parallel_loop3A_349 : f32 to vector<16xf32>
      %parallel_loop3A_351 = arith.mulf %parallel_loop3A_348, %parallel_loop3A_350 : vector<16xf32>
      %parallel_loop3A_352 = arith.addf %parallel_loop3A_351, %parallel_loop3A_342 : vector<16xf32>
      %parallel_loop3A_353 = arith.constant 1 : i32
      %parallel_loop3A_354 = arith.index_cast %parallel_loop3A_353 : i32 to index
      %parallel_loop3A_355 = arith.index_cast %parallel_loop3A_254 : i32 to index
      %parallel_loop3A_356 = arith.constant 32 : index
      %parallel_loop3A_357 = tpu.vector_load %arg7[%parallel_loop3A_354, %parallel_loop3A_355, %parallel_loop3A_356] {strides = array<i32>} : memref<2x128x128xf32, #tpu.memory_space<vmem>>, vector<1x1x16xf32>,
      %parallel_loop3A_358 = vector.shape_cast %parallel_loop3A_357 : vector<1x1x16xf32> to vector<16xf32>
      %parallel_loop3A_359 = vector.shape_cast %parallel_loop3A_352 : vector<16xf32> to vector<1x1x16xf32>
      tpu.vector_store %arg7[%parallel_loop3A_354, %parallel_loop3A_355, %parallel_loop3A_356], %parallel_loop3A_359 {strides = array<i32>} : memref<2x128x128xf32, #tpu.memory_space<vmem>>, vector<1x1x16xf32>,
      %parallel_loop3A_360 = arith.constant 64 : i32
      %parallel_loop3A_361 = arith.addi %parallel_loop3A_254, %parallel_loop3A_360 : i32
      %parallel_loop3A_362 = arith.constant 1 : i32
      %parallel_loop3A_363 = arith.index_cast %parallel_loop3A_362 : i32 to index
      %parallel_loop3A_364 = arith.index_cast %parallel_loop3A_361 : i32 to index
      %parallel_loop3A_365 = arith.constant 32 : index
      %parallel_loop3A_366 = tpu.vector_load %arg7[%parallel_loop3A_363, %parallel_loop3A_364, %parallel_loop3A_365] {strides = array<i32>} : memref<2x128x128xf32, #tpu.memory_space<vmem>>, vector<1x1x16xf32>,
      %parallel_loop3A_367 = vector.shape_cast %parallel_loop3A_366 : vector<1x1x16xf32> to vector<16xf32>
      %parallel_loop3A_368 = arith.constant 11.3137083 : f32
      %parallel_loop3A_369 = vector.broadcast %parallel_loop3A_368 : f32 to vector<16xf32>
      %parallel_loop3A_370 = arith.mulf %parallel_loop3A_367, %parallel_loop3A_369 : vector<16xf32>
      %parallel_loop3A_371 = arith.addf %parallel_loop3A_370, %parallel_loop3A_342 : vector<16xf32>
      %parallel_loop3A_372 = arith.constant 64 : i32
      %parallel_loop3A_373 = arith.addi %parallel_loop3A_254, %parallel_loop3A_372 : i32
      %parallel_loop3A_374 = arith.constant 1 : i32
      %parallel_loop3A_375 = arith.index_cast %parallel_loop3A_374 : i32 to index
      %parallel_loop3A_376 = arith.index_cast %parallel_loop3A_373 : i32 to index
      %parallel_loop3A_377 = arith.constant 32 : index
      %parallel_loop3A_378 = tpu.vector_load %arg7[%parallel_loop3A_375, %parallel_loop3A_376, %parallel_loop3A_377] {strides = array<i32>} : memref<2x128x128xf32, #tpu.memory_space<vmem>>, vector<1x1x16xf32>,
      %parallel_loop3A_379 = vector.shape_cast %parallel_loop3A_378 : vector<1x1x16xf32> to vector<16xf32>
      %parallel_loop3A_380 = vector.shape_cast %parallel_loop3A_371 : vector<16xf32> to vector<1x1x16xf32>
      tpu.vector_store %arg7[%parallel_loop3A_375, %parallel_loop3A_376, %parallel_loop3A_377], %parallel_loop3A_380 {strides = array<i32>} : memref<2x128x128xf32, #tpu.memory_space<vmem>>, vector<1x1x16xf32>,
      %parallel_loop3A_381 = arith.index_cast %parallel_loop3A_254 : i32 to index
      %parallel_loop3A_382 = arith.constant 48 : index
      %parallel_loop3A_383 = tpu.vector_load %arg8[%parallel_loop3A_381, %parallel_loop3A_382] {strides = array<i32>} : memref<64x128xf32, #tpu.memory_space<vmem>>, vector<1x16xf32>,
      %parallel_loop3A_384 = vector.shape_cast %parallel_loop3A_383 : vector<1x16xf32> to vector<16xf32>
      %parallel_loop3A_385 = arith.constant 1 : i32
      %parallel_loop3A_386 = arith.index_cast %parallel_loop3A_385 : i32 to index
      %parallel_loop3A_387 = arith.index_cast %parallel_loop3A_254 : i32 to index
      %parallel_loop3A_388 = arith.constant 48 : index
      %parallel_loop3A_389 = tpu.vector_load %arg7[%parallel_loop3A_386, %parallel_loop3A_387, %parallel_loop3A_388] {strides = array<i32>} : memref<2x128x128xf32, #tpu.memory_space<vmem>>, vector<1x1x16xf32>,
      %parallel_loop3A_390 = vector.shape_cast %parallel_loop3A_389 : vector<1x1x16xf32> to vector<16xf32>
      %parallel_loop3A_391 = arith.constant 11.3137083 : f32
      %parallel_loop3A_392 = vector.broadcast %parallel_loop3A_391 : f32 to vector<16xf32>
      %parallel_loop3A_393 = arith.mulf %parallel_loop3A_390, %parallel_loop3A_392 : vector<16xf32>
      %parallel_loop3A_394 = arith.addf %parallel_loop3A_393, %parallel_loop3A_384 : vector<16xf32>
      %parallel_loop3A_395 = arith.constant 1 : i32
      %parallel_loop3A_396 = arith.index_cast %parallel_loop3A_395 : i32 to index
      %parallel_loop3A_397 = arith.index_cast %parallel_loop3A_254 : i32 to index
      %parallel_loop3A_398 = arith.constant 48 : index
      %parallel_loop3A_399 = tpu.vector_load %arg7[%parallel_loop3A_396, %parallel_loop3A_397, %parallel_loop3A_398] {strides = array<i32>} : memref<2x128x128xf32, #tpu.memory_space<vmem>>, vector<1x1x16xf32>,
      %parallel_loop3A_400 = vector.shape_cast %parallel_loop3A_399 : vector<1x1x16xf32> to vector<16xf32>
      %parallel_loop3A_401 = vector.shape_cast %parallel_loop3A_394 : vector<16xf32> to vector<1x1x16xf32>
      tpu.vector_store %arg7[%parallel_loop3A_396, %parallel_loop3A_397, %parallel_loop3A_398], %parallel_loop3A_401 {strides = array<i32>} : memref<2x128x128xf32, #tpu.memory_space<vmem>>, vector<1x1x16xf32>,
      %parallel_loop3A_402 = arith.constant 64 : i32
      %parallel_loop3A_403 = arith.addi %parallel_loop3A_254, %parallel_loop3A_402 : i32
      %parallel_loop3A_404 = arith.constant 1 : i32
      %parallel_loop3A_405 = arith.index_cast %parallel_loop3A_404 : i32 to index
      %parallel_loop3A_406 = arith.index_cast %parallel_loop3A_403 : i32 to index
      %parallel_loop3A_407 = arith.constant 48 : index
      %parallel_loop3A_408 = tpu.vector_load %arg7[%parallel_loop3A_405, %parallel_loop3A_406, %parallel_loop3A_407] {strides = array<i32>} : memref<2x128x128xf32, #tpu.memory_space<vmem>>, vector<1x1x16xf32>,
      %parallel_loop3A_409 = vector.shape_cast %parallel_loop3A_408 : vector<1x1x16xf32> to vector<16xf32>
      %parallel_loop3A_410 = arith.constant 11.3137083 : f32
      %parallel_loop3A_411 = vector.broadcast %parallel_loop3A_410 : f32 to vector<16xf32>
      %parallel_loop3A_412 = arith.mulf %parallel_loop3A_409, %parallel_loop3A_411 : vector<16xf32>
      %parallel_loop3A_413 = arith.addf %parallel_loop3A_412, %parallel_loop3A_384 : vector<16xf32>
      %parallel_loop3A_414 = arith.constant 64 : i32
      %parallel_loop3A_415 = arith.addi %parallel_loop3A_254, %parallel_loop3A_414 : i32
      %parallel_loop3A_416 = arith.constant 1 : i32
      %parallel_loop3A_417 = arith.index_cast %parallel_loop3A_416 : i32 to index
      %parallel_loop3A_418 = arith.index_cast %parallel_loop3A_415 : i32 to index
      %parallel_loop3A_419 = arith.constant 48 : index
      %parallel_loop3A_420 = tpu.vector_load %arg7[%parallel_loop3A_417, %parallel_loop3A_418, %parallel_loop3A_419] {strides = array<i32>} : memref<2x128x128xf32, #tpu.memory_space<vmem>>, vector<1x1x16xf32>,
      %parallel_loop3A_421 = vector.shape_cast %parallel_loop3A_420 : vector<1x1x16xf32> to vector<16xf32>
      %parallel_loop3A_422 = vector.shape_cast %parallel_loop3A_413 : vector<16xf32> to vector<1x1x16xf32>
      tpu.vector_store %arg7[%parallel_loop3A_417, %parallel_loop3A_418, %parallel_loop3A_419], %parallel_loop3A_422 {strides = array<i32>} : memref<2x128x128xf32, #tpu.memory_space<vmem>>, vector<1x1x16xf32>,
      %parallel_loop3A_423 = arith.index_cast %parallel_loop3A_254 : i32 to index
      %parallel_loop3A_424 = arith.constant 64 : index
      %parallel_loop3A_425 = tpu.vector_load %arg8[%parallel_loop3A_423, %parallel_loop3A_424] {strides = array<i32>} : memref<64x128xf32, #tpu.memory_space<vmem>>, vector<1x16xf32>,
      %parallel_loop3A_426 = vector.shape_cast %parallel_loop3A_425 : vector<1x16xf32> to vector<16xf32>
      %parallel_loop3A_427 = arith.constant 1 : i32
      %parallel_loop3A_428 = arith.index_cast %parallel_loop3A_427 : i32 to index
      %parallel_loop3A_429 = arith.index_cast %parallel_loop3A_254 : i32 to index
      %parallel_loop3A_430 = arith.constant 64 : index
      %parallel_loop3A_431 = tpu.vector_load %arg7[%parallel_loop3A_428, %parallel_loop3A_429, %parallel_loop3A_430] {strides = array<i32>} : memref<2x128x128xf32, #tpu.memory_space<vmem>>, vector<1x1x16xf32>,
      %parallel_loop3A_432 = vector.shape_cast %parallel_loop3A_431 : vector<1x1x16xf32> to vector<16xf32>
      %parallel_loop3A_433 = arith.constant 11.3137083 : f32
      %parallel_loop3A_434 = vector.broadcast %parallel_loop3A_433 : f32 to vector<16xf32>
      %parallel_loop3A_435 = arith.mulf %parallel_loop3A_432, %parallel_loop3A_434 : vector<16xf32>
      %parallel_loop3A_436 = arith.addf %parallel_loop3A_435, %parallel_loop3A_426 : vector<16xf32>
      %parallel_loop3A_437 = arith.constant 1 : i32
      %parallel_loop3A_438 = arith.index_cast %parallel_loop3A_437 : i32 to index
      %parallel_loop3A_439 = arith.index_cast %parallel_loop3A_254 : i32 to index
      %parallel_loop3A_440 = arith.constant 64 : index
      %parallel_loop3A_441 = tpu.vector_load %arg7[%parallel_loop3A_438, %parallel_loop3A_439, %parallel_loop3A_440] {strides = array<i32>} : memref<2x128x128xf32, #tpu.memory_space<vmem>>, vector<1x1x16xf32>,
      %parallel_loop3A_442 = vector.shape_cast %parallel_loop3A_441 : vector<1x1x16xf32> to vector<16xf32>
      %parallel_loop3A_443 = vector.shape_cast %parallel_loop3A_436 : vector<16xf32> to vector<1x1x16xf32>
      tpu.vector_store %arg7[%parallel_loop3A_438, %parallel_loop3A_439, %parallel_loop3A_440], %parallel_loop3A_443 {strides = array<i32>} : memref<2x128x128xf32, #tpu.memory_space<vmem>>, vector<1x1x16xf32>,
      %parallel_loop3A_444 = arith.constant 64 : i32
      %parallel_loop3A_445 = arith.addi %parallel_loop3A_254, %parallel_loop3A_444 : i32
      %parallel_loop3A_446 = arith.constant 1 : i32
      %parallel_loop3A_447 = arith.index_cast %parallel_loop3A_446 : i32 to index
      %parallel_loop3A_448 = arith.index_cast %parallel_loop3A_445 : i32 to index
      %parallel_loop3A_449 = arith.constant 64 : index
      %parallel_loop3A_450 = tpu.vector_load %arg7[%parallel_loop3A_447, %parallel_loop3A_448, %parallel_loop3A_449] {strides = array<i32>} : memref<2x128x128xf32, #tpu.memory_space<vmem>>, vector<1x1x16xf32>,
      %parallel_loop3A_451 = vector.shape_cast %parallel_loop3A_450 : vector<1x1x16xf32> to vector<16xf32>
      %parallel_loop3A_452 = arith.constant 11.3137083 : f32
      %parallel_loop3A_453 = vector.broadcast %parallel_loop3A_452 : f32 to vector<16xf32>
      %parallel_loop3A_454 = arith.mulf %parallel_loop3A_451, %parallel_loop3A_453 : vector<16xf32>
      %parallel_loop3A_455 = arith.addf %parallel_loop3A_454, %parallel_loop3A_426 : vector<16xf32>
      %parallel_loop3A_456 = arith.constant 64 : i32
      %parallel_loop3A_457 = arith.addi %parallel_loop3A_254, %parallel_loop3A_456 : i32
      %parallel_loop3A_458 = arith.constant 1 : i32
      %parallel_loop3A_459 = arith.index_cast %parallel_loop3A_458 : i32 to index
      %parallel_loop3A_460 = arith.index_cast %parallel_loop3A_457 : i32 to index
      %parallel_loop3A_461 = arith.constant 64 : index
      %parallel_loop3A_462 = tpu.vector_load %arg7[%parallel_loop3A_459, %parallel_loop3A_460, %parallel_loop3A_461] {strides = array<i32>} : memref<2x128x128xf32, #tpu.memory_space<vmem>>, vector<1x1x16xf32>,
      %parallel_loop3A_463 = vector.shape_cast %parallel_loop3A_462 : vector<1x1x16xf32> to vector<16xf32>
      %parallel_loop3A_464 = vector.shape_cast %parallel_loop3A_455 : vector<16xf32> to vector<1x1x16xf32>
      tpu.vector_store %arg7[%parallel_loop3A_459, %parallel_loop3A_460, %parallel_loop3A_461], %parallel_loop3A_464 {strides = array<i32>} : memref<2x128x128xf32, #tpu.memory_space<vmem>>, vector<1x1x16xf32>,
      %parallel_loop3A_465 = arith.index_cast %parallel_loop3A_254 : i32 to index
      %parallel_loop3A_466 = arith.constant 80 : index
      %parallel_loop3A_467 = tpu.vector_load %arg8[%parallel_loop3A_465, %parallel_loop3A_466] {strides = array<i32>} : memref<64x128xf32, #tpu.memory_space<vmem>>, vector<1x16xf32>,
      %parallel_loop3A_468 = vector.shape_cast %parallel_loop3A_467 : vector<1x16xf32> to vector<16xf32>
      %parallel_loop3A_469 = arith.constant 1 : i32
      %parallel_loop3A_470 = arith.index_cast %parallel_loop3A_469 : i32 to index
      %parallel_loop3A_471 = arith.index_cast %parallel_loop3A_254 : i32 to index
      %parallel_loop3A_472 = arith.constant 80 : index
      %parallel_loop3A_473 = tpu.vector_load %arg7[%parallel_loop3A_470, %parallel_loop3A_471, %parallel_loop3A_472] {strides = array<i32>} : memref<2x128x128xf32, #tpu.memory_space<vmem>>, vector<1x1x16xf32>,
      %parallel_loop3A_474 = vector.shape_cast %parallel_loop3A_473 : vector<1x1x16xf32> to vector<16xf32>
      %parallel_loop3A_475 = arith.constant 11.3137083 : f32
      %parallel_loop3A_476 = vector.broadcast %parallel_loop3A_475 : f32 to vector<16xf32>
      %parallel_loop3A_477 = arith.mulf %parallel_loop3A_474, %parallel_loop3A_476 : vector<16xf32>
      %parallel_loop3A_478 = arith.addf %parallel_loop3A_477, %parallel_loop3A_468 : vector<16xf32>
      %parallel_loop3A_479 = arith.constant 1 : i32
      %parallel_loop3A_480 = arith.index_cast %parallel_loop3A_479 : i32 to index
      %parallel_loop3A_481 = arith.index_cast %parallel_loop3A_254 : i32 to index
      %parallel_loop3A_482 = arith.constant 80 : index
      %parallel_loop3A_483 = tpu.vector_load %arg7[%parallel_loop3A_480, %parallel_loop3A_481, %parallel_loop3A_482] {strides = array<i32>} : memref<2x128x128xf32, #tpu.memory_space<vmem>>, vector<1x1x16xf32>,
      %parallel_loop3A_484 = vector.shape_cast %parallel_loop3A_483 : vector<1x1x16xf32> to vector<16xf32>
      %parallel_loop3A_485 = vector.shape_cast %parallel_loop3A_478 : vector<16xf32> to vector<1x1x16xf32>
      tpu.vector_store %arg7[%parallel_loop3A_480, %parallel_loop3A_481, %parallel_loop3A_482], %parallel_loop3A_485 {strides = array<i32>} : memref<2x128x128xf32, #tpu.memory_space<vmem>>, vector<1x1x16xf32>,
      %parallel_loop3A_486 = arith.constant 64 : i32
      %parallel_loop3A_487 = arith.addi %parallel_loop3A_254, %parallel_loop3A_486 : i32
      %parallel_loop3A_488 = arith.constant 1 : i32
      %parallel_loop3A_489 = arith.index_cast %parallel_loop3A_488 : i32 to index
      %parallel_loop3A_490 = arith.index_cast %parallel_loop3A_487 : i32 to index
      %parallel_loop3A_491 = arith.constant 80 : index
      %parallel_loop3A_492 = tpu.vector_load %arg7[%parallel_loop3A_489, %parallel_loop3A_490, %parallel_loop3A_491] {strides = array<i32>} : memref<2x128x128xf32, #tpu.memory_space<vmem>>, vector<1x1x16xf32>,
      %parallel_loop3A_493 = vector.shape_cast %parallel_loop3A_492 : vector<1x1x16xf32> to vector<16xf32>
      %parallel_loop3A_494 = arith.constant 11.3137083 : f32
      %parallel_loop3A_495 = vector.broadcast %parallel_loop3A_494 : f32 to vector<16xf32>
      %parallel_loop3A_496 = arith.mulf %parallel_loop3A_493, %parallel_loop3A_495 : vector<16xf32>
      %parallel_loop3A_497 = arith.addf %parallel_loop3A_496, %parallel_loop3A_468 : vector<16xf32>
      %parallel_loop3A_498 = arith.constant 64 : i32
      %parallel_loop3A_499 = arith.addi %parallel_loop3A_254, %parallel_loop3A_498 : i32
      %parallel_loop3A_500 = arith.constant 1 : i32
      %parallel_loop3A_501 = arith.index_cast %parallel_loop3A_500 : i32 to index
      %parallel_loop3A_502 = arith.index_cast %parallel_loop3A_499 : i32 to index
      %parallel_loop3A_503 = arith.constant 80 : index
      %parallel_loop3A_504 = tpu.vector_load %arg7[%parallel_loop3A_501, %parallel_loop3A_502, %parallel_loop3A_503] {strides = array<i32>} : memref<2x128x128xf32, #tpu.memory_space<vmem>>, vector<1x1x16xf32>,
      %parallel_loop3A_505 = vector.shape_cast %parallel_loop3A_504 : vector<1x1x16xf32> to vector<16xf32>
      %parallel_loop3A_506 = vector.shape_cast %parallel_loop3A_497 : vector<16xf32> to vector<1x1x16xf32>
      tpu.vector_store %arg7[%parallel_loop3A_501, %parallel_loop3A_502, %parallel_loop3A_503], %parallel_loop3A_506 {strides = array<i32>} : memref<2x128x128xf32, #tpu.memory_space<vmem>>, vector<1x1x16xf32>,
      %parallel_loop3A_507 = arith.index_cast %parallel_loop3A_254 : i32 to index
      %parallel_loop3A_508 = arith.constant 96 : index
      %parallel_loop3A_509 = tpu.vector_load %arg8[%parallel_loop3A_507, %parallel_loop3A_508] {strides = array<i32>} : memref<64x128xf32, #tpu.memory_space<vmem>>, vector<1x16xf32>,
      %parallel_loop3A_510 = vector.shape_cast %parallel_loop3A_509 : vector<1x16xf32> to vector<16xf32>
      %parallel_loop3A_511 = arith.constant 1 : i32
      %parallel_loop3A_512 = arith.index_cast %parallel_loop3A_511 : i32 to index
      %parallel_loop3A_513 = arith.index_cast %parallel_loop3A_254 : i32 to index
      %parallel_loop3A_514 = arith.constant 96 : index
      %parallel_loop3A_515 = tpu.vector_load %arg7[%parallel_loop3A_512, %parallel_loop3A_513, %parallel_loop3A_514] {strides = array<i32>} : memref<2x128x128xf32, #tpu.memory_space<vmem>>, vector<1x1x16xf32>,
      %parallel_loop3A_516 = vector.shape_cast %parallel_loop3A_515 : vector<1x1x16xf32> to vector<16xf32>
      %parallel_loop3A_517 = arith.constant 11.3137083 : f32
      %parallel_loop3A_518 = vector.broadcast %parallel_loop3A_517 : f32 to vector<16xf32>
      %parallel_loop3A_519 = arith.mulf %parallel_loop3A_516, %parallel_loop3A_518 : vector<16xf32>
      %parallel_loop3A_520 = arith.addf %parallel_loop3A_519, %parallel_loop3A_510 : vector<16xf32>
      %parallel_loop3A_521 = arith.constant 1 : i32
      %parallel_loop3A_522 = arith.index_cast %parallel_loop3A_521 : i32 to index
      %parallel_loop3A_523 = arith.index_cast %parallel_loop3A_254 : i32 to index
      %parallel_loop3A_524 = arith.constant 96 : index
      %parallel_loop3A_525 = tpu.vector_load %arg7[%parallel_loop3A_522, %parallel_loop3A_523, %parallel_loop3A_524] {strides = array<i32>} : memref<2x128x128xf32, #tpu.memory_space<vmem>>, vector<1x1x16xf32>,
      %parallel_loop3A_526 = vector.shape_cast %parallel_loop3A_525 : vector<1x1x16xf32> to vector<16xf32>
      %parallel_loop3A_527 = vector.shape_cast %parallel_loop3A_520 : vector<16xf32> to vector<1x1x16xf32>
      tpu.vector_store %arg7[%parallel_loop3A_522, %parallel_loop3A_523, %parallel_loop3A_524], %parallel_loop3A_527 {strides = array<i32>} : memref<2x128x128xf32, #tpu.memory_space<vmem>>, vector<1x1x16xf32>,
      %parallel_loop3A_528 = arith.constant 64 : i32
      %parallel_loop3A_529 = arith.addi %parallel_loop3A_254, %parallel_loop3A_528 : i32
      %parallel_loop3A_530 = arith.constant 1 : i32
      %parallel_loop3A_531 = arith.index_cast %parallel_loop3A_530 : i32 to index
      %parallel_loop3A_532 = arith.index_cast %parallel_loop3A_529 : i32 to index
      %parallel_loop3A_533 = arith.constant 96 : index
      %parallel_loop3A_534 = tpu.vector_load %arg7[%parallel_loop3A_531, %parallel_loop3A_532, %parallel_loop3A_533] {strides = array<i32>} : memref<2x128x128xf32, #tpu.memory_space<vmem>>, vector<1x1x16xf32>,
      %parallel_loop3A_535 = vector.shape_cast %parallel_loop3A_534 : vector<1x1x16xf32> to vector<16xf32>
      %parallel_loop3A_536 = arith.constant 11.3137083 : f32
      %parallel_loop3A_537 = vector.broadcast %parallel_loop3A_536 : f32 to vector<16xf32>
      %parallel_loop3A_538 = arith.mulf %parallel_loop3A_535, %parallel_loop3A_537 : vector<16xf32>
      %parallel_loop3A_539 = arith.addf %parallel_loop3A_538, %parallel_loop3A_510 : vector<16xf32>
      %parallel_loop3A_540 = arith.constant 64 : i32
      %parallel_loop3A_541 = arith.addi %parallel_loop3A_254, %parallel_loop3A_540 : i32
      %parallel_loop3A_542 = arith.constant 1 : i32
      %parallel_loop3A_543 = arith.index_cast %parallel_loop3A_542 : i32 to index
      %parallel_loop3A_544 = arith.index_cast %parallel_loop3A_541 : i32 to index
      %parallel_loop3A_545 = arith.constant 96 : index
      %parallel_loop3A_546 = tpu.vector_load %arg7[%parallel_loop3A_543, %parallel_loop3A_544, %parallel_loop3A_545] {strides = array<i32>} : memref<2x128x128xf32, #tpu.memory_space<vmem>>, vector<1x1x16xf32>,
      %parallel_loop3A_547 = vector.shape_cast %parallel_loop3A_546 : vector<1x1x16xf32> to vector<16xf32>
      %parallel_loop3A_548 = vector.shape_cast %parallel_loop3A_539 : vector<16xf32> to vector<1x1x16xf32>
      tpu.vector_store %arg7[%parallel_loop3A_543, %parallel_loop3A_544, %parallel_loop3A_545], %parallel_loop3A_548 {strides = array<i32>} : memref<2x128x128xf32, #tpu.memory_space<vmem>>, vector<1x1x16xf32>,
      %parallel_loop3A_549 = arith.index_cast %parallel_loop3A_254 : i32 to index
      %parallel_loop3A_550 = arith.constant 112 : index
      %parallel_loop3A_551 = tpu.vector_load %arg8[%parallel_loop3A_549, %parallel_loop3A_550] {strides = array<i32>} : memref<64x128xf32, #tpu.memory_space<vmem>>, vector<1x16xf32>,
      %parallel_loop3A_552 = vector.shape_cast %parallel_loop3A_551 : vector<1x16xf32> to vector<16xf32>
      %parallel_loop3A_553 = arith.constant 1 : i32
      %parallel_loop3A_554 = arith.index_cast %parallel_loop3A_553 : i32 to index
      %parallel_loop3A_555 = arith.index_cast %parallel_loop3A_254 : i32 to index
      %parallel_loop3A_556 = arith.constant 112 : index
      %parallel_loop3A_557 = tpu.vector_load %arg7[%parallel_loop3A_554, %parallel_loop3A_555, %parallel_loop3A_556] {strides = array<i32>} : memref<2x128x128xf32, #tpu.memory_space<vmem>>, vector<1x1x16xf32>,
      %parallel_loop3A_558 = vector.shape_cast %parallel_loop3A_557 : vector<1x1x16xf32> to vector<16xf32>
      %parallel_loop3A_559 = arith.constant 11.3137083 : f32
      %parallel_loop3A_560 = vector.broadcast %parallel_loop3A_559 : f32 to vector<16xf32>
      %parallel_loop3A_561 = arith.mulf %parallel_loop3A_558, %parallel_loop3A_560 : vector<16xf32>
      %parallel_loop3A_562 = arith.addf %parallel_loop3A_561, %parallel_loop3A_552 : vector<16xf32>
      %parallel_loop3A_563 = arith.constant 1 : i32
      %parallel_loop3A_564 = arith.index_cast %parallel_loop3A_563 : i32 to index
      %parallel_loop3A_565 = arith.index_cast %parallel_loop3A_254 : i32 to index
      %parallel_loop3A_566 = arith.constant 112 : index
      %parallel_loop3A_567 = tpu.vector_load %arg7[%parallel_loop3A_564, %parallel_loop3A_565, %parallel_loop3A_566] {strides = array<i32>} : memref<2x128x128xf32, #tpu.memory_space<vmem>>, vector<1x1x16xf32>,
      %parallel_loop3A_568 = vector.shape_cast %parallel_loop3A_567 : vector<1x1x16xf32> to vector<16xf32>
      %parallel_loop3A_569 = vector.shape_cast %parallel_loop3A_562 : vector<16xf32> to vector<1x1x16xf32>
      tpu.vector_store %arg7[%parallel_loop3A_564, %parallel_loop3A_565, %parallel_loop3A_566], %parallel_loop3A_569 {strides = array<i32>} : memref<2x128x128xf32, #tpu.memory_space<vmem>>, vector<1x1x16xf32>,
      %parallel_loop3A_570 = arith.constant 64 : i32
      %parallel_loop3A_571 = arith.addi %parallel_loop3A_254, %parallel_loop3A_570 : i32
      %parallel_loop3A_572 = arith.constant 1 : i32
      %parallel_loop3A_573 = arith.index_cast %parallel_loop3A_572 : i32 to index
      %parallel_loop3A_574 = arith.index_cast %parallel_loop3A_571 : i32 to index
      %parallel_loop3A_575 = arith.constant 112 : index
      %parallel_loop3A_576 = tpu.vector_load %arg7[%parallel_loop3A_573, %parallel_loop3A_574, %parallel_loop3A_575] {strides = array<i32>} : memref<2x128x128xf32, #tpu.memory_space<vmem>>, vector<1x1x16xf32>,
      %parallel_loop3A_577 = vector.shape_cast %parallel_loop3A_576 : vector<1x1x16xf32> to vector<16xf32>
      %parallel_loop3A_578 = arith.constant 11.3137083 : f32
      %parallel_loop3A_579 = vector.broadcast %parallel_loop3A_578 : f32 to vector<16xf32>
      %parallel_loop3A_580 = arith.mulf %parallel_loop3A_577, %parallel_loop3A_579 : vector<16xf32>
      %parallel_loop3A_581 = arith.addf %parallel_loop3A_580, %parallel_loop3A_552 : vector<16xf32>
      %parallel_loop3A_582 = arith.constant 64 : i32
      %parallel_loop3A_583 = arith.addi %parallel_loop3A_254, %parallel_loop3A_582 : i32
      %parallel_loop3A_584 = arith.constant 1 : i32
      %parallel_loop3A_585 = arith.index_cast %parallel_loop3A_584 : i32 to index
      %parallel_loop3A_586 = arith.index_cast %parallel_loop3A_583 : i32 to index
      %parallel_loop3A_587 = arith.constant 112 : index
      %parallel_loop3A_588 = tpu.vector_load %arg7[%parallel_loop3A_585, %parallel_loop3A_586, %parallel_loop3A_587] {strides = array<i32>} : memref<2x128x128xf32, #tpu.memory_space<vmem>>, vector<1x1x16xf32>,
      %parallel_loop3A_589 = vector.shape_cast %parallel_loop3A_588 : vector<1x1x16xf32> to vector<16xf32>
      %parallel_loop3A_590 = vector.shape_cast %parallel_loop3A_581 : vector<16xf32> to vector<1x1x16xf32>
      tpu.vector_store %arg7[%parallel_loop3A_585, %parallel_loop3A_586, %parallel_loop3A_587], %parallel_loop3A_590 {strides = array<i32>} : memref<2x128x128xf32, #tpu.memory_space<vmem>>, vector<1x1x16xf32>,
    } {sc.loop_unroll_factor = 1 : i64, sc.parallel_access}
    %dma_start3A_158 = arith.constant 1 : i32
    %dma_start3A_159 = arith.constant 2 : i32
    %dma_start3A_160 = arith.constant 0 : i32
    %dma_start3A_161 = arith.constant 0 : i32
    %dma_start3A_162 = tpu.memref_slice %arg7[%dma_start3A_158, %dma_start3A_160, %dma_start3A_161] : memref<2x128x128xf32, #tpu.memory_space<vmem>> -> memref<1x64x128xf32, #tpu.memory_space<vmem>>
    %dma_start3A_163 = tpu.memref_squeeze %dma_start3A_162 : memref<1x64x128xf32, #tpu.memory_space<vmem>> -> memref<64x128xf32, #tpu.memory_space<vmem>>
    %dma_start3A_164 = arith.constant 0 : i32
    %dma_start3A_165 = tpu.memref_slice %arg5[%dma_start3A_159, %mul3A_2, %dma_start3A_164] : memref<4x2048x128xf32, #tpu.memory_space<hbm>> -> memref<1x64x128xf32, #tpu.memory_space<hbm>>
    %dma_start3A_166 = tpu.memref_squeeze %dma_start3A_165 : memref<1x64x128xf32, #tpu.memory_space<hbm>> -> memref<64x128xf32, #tpu.memory_space<hbm>>
    %dma_start3A_167 = arith.constant 0 : i32
    %dma_start3A_168 = tpu.memref_slice %arg5[%dma_start3A_159, %mul3A_2, %dma_start3A_167] : memref<4x2048x128xf32, #tpu.memory_space<hbm>> -> memref<1x64x128xf32, #tpu.memory_space<hbm>>
    %dma_start3A_169 = tpu.memref_squeeze %dma_start3A_168 : memref<1x64x128xf32, #tpu.memory_space<hbm>> -> memref<64x128xf32, #tpu.memory_space<hbm>>
    %dma_start3A_170 = arith.constant 0 : i32
    %dma_start3A_171 = arith.constant 0 : i32
    %dma_start3A_172 = tpu.memref_slice %arg7[%dma_start3A_158, %dma_start3A_170, %dma_start3A_171] : memref<2x128x128xf32, #tpu.memory_space<vmem>> -> memref<1x64x128xf32, #tpu.memory_space<vmem>>
    %dma_start3A_173 = tpu.memref_squeeze %dma_start3A_172 : memref<1x64x128xf32, #tpu.memory_space<vmem>> -> memref<64x128xf32, #tpu.memory_space<vmem>>
    tpu.enqueue_dma source(%dma_start3A_173 : memref<64x128xf32, #tpu.memory_space<vmem>>) target(%dma_start3A_169 : memref<64x128xf32, #tpu.memory_space<hbm>>) target_semaphore(%arg12 : memref<!tpu.dma_semaphore, #tpu.memory_space<semaphore_mem>>)
    %dma_start3A_174 = arith.constant 1 : i32
    %dma_start3A_175 = arith.constant 3 : i32
    %dma_start3A_176 = arith.constant 64 : i32
    %dma_start3A_177 = arith.constant 0 : i32
    %dma_start3A_178 = tpu.memref_slice %arg7[%dma_start3A_174, %dma_start3A_176, %dma_start3A_177] : memref<2x128x128xf32, #tpu.memory_space<vmem>> -> memref<1x64x128xf32, #tpu.memory_space<vmem>>
    %dma_start3A_179 = tpu.memref_squeeze %dma_start3A_178 : memref<1x64x128xf32, #tpu.memory_space<vmem>> -> memref<64x128xf32, #tpu.memory_space<vmem>>
    %dma_start3A_180 = arith.constant 0 : i32
    %dma_start3A_181 = tpu.memref_slice %arg5[%dma_start3A_175, %mul3A_2, %dma_start3A_180] : memref<4x2048x128xf32, #tpu.memory_space<hbm>> -> memref<1x64x128xf32, #tpu.memory_space<hbm>>
    %dma_start3A_182 = tpu.memref_squeeze %dma_start3A_181 : memref<1x64x128xf32, #tpu.memory_space<hbm>> -> memref<64x128xf32, #tpu.memory_space<hbm>>
    %dma_start3A_183 = arith.constant 0 : i32
    %dma_start3A_184 = tpu.memref_slice %arg5[%dma_start3A_175, %mul3A_2, %dma_start3A_183] : memref<4x2048x128xf32, #tpu.memory_space<hbm>> -> memref<1x64x128xf32, #tpu.memory_space<hbm>>
    %dma_start3A_185 = tpu.memref_squeeze %dma_start3A_184 : memref<1x64x128xf32, #tpu.memory_space<hbm>> -> memref<64x128xf32, #tpu.memory_space<hbm>>
    %dma_start3A_186 = arith.constant 64 : i32
    %dma_start3A_187 = arith.constant 0 : i32
    %dma_start3A_188 = tpu.memref_slice %arg7[%dma_start3A_174, %dma_start3A_186, %dma_start3A_187] : memref<2x128x128xf32, #tpu.memory_space<vmem>> -> memref<1x64x128xf32, #tpu.memory_space<vmem>>
    %dma_start3A_189 = tpu.memref_squeeze %dma_start3A_188 : memref<1x64x128xf32, #tpu.memory_space<vmem>> -> memref<64x128xf32, #tpu.memory_space<vmem>>
    tpu.enqueue_dma source(%dma_start3A_189 : memref<64x128xf32, #tpu.memory_space<vmem>>) target(%dma_start3A_185 : memref<64x128xf32, #tpu.memory_space<hbm>>) target_semaphore(%arg12 : memref<!tpu.dma_semaphore, #tpu.memory_space<semaphore_mem>>)
    %dma_wait3A_190 = arith.constant 0 : i32
    %dma_wait3A_191 = arith.constant 0 : i32
    %dma_wait3A_192 = arith.constant 0 : i32
    %dma_wait3A_193 = arith.constant 0 : i32
    %dma_wait3A_194 = tpu.memref_slice %arg7[%dma_wait3A_190, %dma_wait3A_192, %dma_wait3A_193] : memref<2x128x128xf32, #tpu.memory_space<vmem>> -> memref<1x64x128xf32, #tpu.memory_space<vmem>>
    %dma_wait3A_195 = tpu.memref_squeeze %dma_wait3A_194 : memref<1x64x128xf32, #tpu.memory_space<vmem>> -> memref<64x128xf32, #tpu.memory_space<vmem>>
    %dma_wait3A_196 = arith.constant 0 : i32
    %dma_wait3A_197 = tpu.memref_slice %arg5[%dma_wait3A_191, %mul3A_2, %dma_wait3A_196] : memref<4x2048x128xf32, #tpu.memory_space<hbm>> -> memref<1x64x128xf32, #tpu.memory_space<hbm>>
    %dma_wait3A_198 = tpu.memref_squeeze %dma_wait3A_197 : memref<1x64x128xf32, #tpu.memory_space<hbm>> -> memref<64x128xf32, #tpu.memory_space<hbm>>
    %dma_wait3A_199 = arith.constant 0 : i32
    %dma_wait3A_200 = tpu.memref_slice %arg5[%dma_wait3A_191, %mul3A_2, %dma_wait3A_199] : memref<4x2048x128xf32, #tpu.memory_space<hbm>> -> memref<1x64x128xf32, #tpu.memory_space<hbm>>
    %dma_wait3A_201 = tpu.memref_squeeze %dma_wait3A_200 : memref<1x64x128xf32, #tpu.memory_space<hbm>> -> memref<64x128xf32, #tpu.memory_space<hbm>>
    %dma_wait3A_202 = arith.constant 0 : i32
    %dma_wait3A_203 = arith.constant 0 : i32
    %dma_wait3A_204 = tpu.memref_slice %arg7[%dma_wait3A_190, %dma_wait3A_202, %dma_wait3A_203] : memref<2x128x128xf32, #tpu.memory_space<vmem>> -> memref<1x64x128xf32, #tpu.memory_space<vmem>>
    %dma_wait3A_205 = tpu.memref_squeeze %dma_wait3A_204 : memref<1x64x128xf32, #tpu.memory_space<vmem>> -> memref<64x128xf32, #tpu.memory_space<vmem>>
    tpu.wait_dma2 semaphore(%arg12 : memref<!tpu.dma_semaphore, #tpu.memory_space<semaphore_mem>>) src(%dma_wait3A_205 : memref<64x128xf32, #tpu.memory_space<vmem>>) dst(%dma_wait3A_201 : memref<64x128xf32, #tpu.memory_space<hbm>>)
    %dma_wait3A_206 = arith.constant 0 : i32
    %dma_wait3A_207 = arith.constant 1 : i32
    %dma_wait3A_208 = arith.constant 64 : i32
    %dma_wait3A_209 = arith.constant 0 : i32
    %dma_wait3A_210 = tpu.memref_slice %arg7[%dma_wait3A_206, %dma_wait3A_208, %dma_wait3A_209] : memref<2x128x128xf32, #tpu.memory_space<vmem>> -> memref<1x64x128xf32, #tpu.memory_space<vmem>>
    %dma_wait3A_211 = tpu.memref_squeeze %dma_wait3A_210 : memref<1x64x128xf32, #tpu.memory_space<vmem>> -> memref<64x128xf32, #tpu.memory_space<vmem>>
    %dma_wait3A_212 = arith.constant 0 : i32
    %dma_wait3A_213 = tpu.memref_slice %arg5[%dma_wait3A_207, %mul3A_2, %dma_wait3A_212] : memref<4x2048x128xf32, #tpu.memory_space<hbm>> -> memref<1x64x128xf32, #tpu.memory_space<hbm>>
    %dma_wait3A_214 = tpu.memref_squeeze %dma_wait3A_213 : memref<1x64x128xf32, #tpu.memory_space<hbm>> -> memref<64x128xf32, #tpu.memory_space<hbm>>
    %dma_wait3A_215 = arith.constant 0 : i32
    %dma_wait3A_216 = tpu.memref_slice %arg5[%dma_wait3A_207, %mul3A_2, %dma_wait3A_215] : memref<4x2048x128xf32, #tpu.memory_space<hbm>> -> memref<1x64x128xf32, #tpu.memory_space<hbm>>
    %dma_wait3A_217 = tpu.memref_squeeze %dma_wait3A_216 : memref<1x64x128xf32, #tpu.memory_space<hbm>> -> memref<64x128xf32, #tpu.memory_space<hbm>>
    %dma_wait3A_218 = arith.constant 64 : i32
    %dma_wait3A_219 = arith.constant 0 : i32
    %dma_wait3A_220 = tpu.memref_slice %arg7[%dma_wait3A_206, %dma_wait3A_218, %dma_wait3A_219] : memref<2x128x128xf32, #tpu.memory_space<vmem>> -> memref<1x64x128xf32, #tpu.memory_space<vmem>>
    %dma_wait3A_221 = tpu.memref_squeeze %dma_wait3A_220 : memref<1x64x128xf32, #tpu.memory_space<vmem>> -> memref<64x128xf32, #tpu.memory_space<vmem>>
    tpu.wait_dma2 semaphore(%arg12 : memref<!tpu.dma_semaphore, #tpu.memory_space<semaphore_mem>>) src(%dma_wait3A_221 : memref<64x128xf32, #tpu.memory_space<vmem>>) dst(%dma_wait3A_217 : memref<64x128xf32, #tpu.memory_space<hbm>>)
    %dma_wait3A_222 = arith.constant 1 : i32
    %dma_wait3A_223 = arith.constant 2 : i32
    %dma_wait3A_224 = arith.constant 0 : i32
    %dma_wait3A_225 = arith.constant 0 : i32
    %dma_wait3A_226 = tpu.memref_slice %arg7[%dma_wait3A_222, %dma_wait3A_224, %dma_wait3A_225] : memref<2x128x128xf32, #tpu.memory_space<vmem>> -> memref<1x64x128xf32, #tpu.memory_space<vmem>>
    %dma_wait3A_227 = tpu.memref_squeeze %dma_wait3A_226 : memref<1x64x128xf32, #tpu.memory_space<vmem>> -> memref<64x128xf32, #tpu.memory_space<vmem>>
    %dma_wait3A_228 = arith.constant 0 : i32
    %dma_wait3A_229 = tpu.memref_slice %arg5[%dma_wait3A_223, %mul3A_2, %dma_wait3A_228] : memref<4x2048x128xf32, #tpu.memory_space<hbm>> -> memref<1x64x128xf32, #tpu.memory_space<hbm>>
    %dma_wait3A_230 = tpu.memref_squeeze %dma_wait3A_229 : memref<1x64x128xf32, #tpu.memory_space<hbm>> -> memref<64x128xf32, #tpu.memory_space<hbm>>
    %dma_wait3A_231 = arith.constant 0 : i32
    %dma_wait3A_232 = tpu.memref_slice %arg5[%dma_wait3A_223, %mul3A_2, %dma_wait3A_231] : memref<4x2048x128xf32, #tpu.memory_space<hbm>> -> memref<1x64x128xf32, #tpu.memory_space<hbm>>
    %dma_wait3A_233 = tpu.memref_squeeze %dma_wait3A_232 : memref<1x64x128xf32, #tpu.memory_space<hbm>> -> memref<64x128xf32, #tpu.memory_space<hbm>>
    %dma_wait3A_234 = arith.constant 0 : i32
    %dma_wait3A_235 = arith.constant 0 : i32
    %dma_wait3A_236 = tpu.memref_slice %arg7[%dma_wait3A_222, %dma_wait3A_234, %dma_wait3A_235] : memref<2x128x128xf32, #tpu.memory_space<vmem>> -> memref<1x64x128xf32, #tpu.memory_space<vmem>>
    %dma_wait3A_237 = tpu.memref_squeeze %dma_wait3A_236 : memref<1x64x128xf32, #tpu.memory_space<vmem>> -> memref<64x128xf32, #tpu.memory_space<vmem>>
    tpu.wait_dma2 semaphore(%arg12 : memref<!tpu.dma_semaphore, #tpu.memory_space<semaphore_mem>>) src(%dma_wait3A_237 : memref<64x128xf32, #tpu.memory_space<vmem>>) dst(%dma_wait3A_233 : memref<64x128xf32, #tpu.memory_space<hbm>>)
    %dma_wait3A_238 = arith.constant 1 : i32
    %dma_wait3A_239 = arith.constant 3 : i32
    %dma_wait3A_240 = arith.constant 64 : i32
    %dma_wait3A_241 = arith.constant 0 : i32
    %dma_wait3A_242 = tpu.memref_slice %arg7[%dma_wait3A_238, %dma_wait3A_240, %dma_wait3A_241] : memref<2x128x128xf32, #tpu.memory_space<vmem>> -> memref<1x64x128xf32, #tpu.memory_space<vmem>>
    %dma_wait3A_243 = tpu.memref_squeeze %dma_wait3A_242 : memref<1x64x128xf32, #tpu.memory_space<vmem>> -> memref<64x128xf32, #tpu.memory_space<vmem>>
    %dma_wait3A_244 = arith.constant 0 : i32
    %dma_wait3A_245 = tpu.memref_slice %arg5[%dma_wait3A_239, %mul3A_2, %dma_wait3A_244] : memref<4x2048x128xf32, #tpu.memory_space<hbm>> -> memref<1x64x128xf32, #tpu.memory_space<hbm>>
    %dma_wait3A_246 = tpu.memref_squeeze %dma_wait3A_245 : memref<1x64x128xf32, #tpu.memory_space<hbm>> -> memref<64x128xf32, #tpu.memory_space<hbm>>
    %dma_wait3A_247 = arith.constant 0 : i32
    %dma_wait3A_248 = tpu.memref_slice %arg5[%dma_wait3A_239, %mul3A_2, %dma_wait3A_247] : memref<4x2048x128xf32, #tpu.memory_space<hbm>> -> memref<1x64x128xf32, #tpu.memory_space<hbm>>
    %dma_wait3A_249 = tpu.memref_squeeze %dma_wait3A_248 : memref<1x64x128xf32, #tpu.memory_space<hbm>> -> memref<64x128xf32, #tpu.memory_space<hbm>>
    %dma_wait3A_250 = arith.constant 64 : i32
    %dma_wait3A_251 = arith.constant 0 : i32
    %dma_wait3A_252 = tpu.memref_slice %arg7[%dma_wait3A_238, %dma_wait3A_250, %dma_wait3A_251] : memref<2x128x128xf32, #tpu.memory_space<vmem>> -> memref<1x64x128xf32, #tpu.memory_space<vmem>>
    %dma_wait3A_253 = tpu.memref_squeeze %dma_wait3A_252 : memref<1x64x128xf32, #tpu.memory_space<vmem>> -> memref<64x128xf32, #tpu.memory_space<vmem>>
    tpu.wait_dma2 semaphore(%arg12 : memref<!tpu.dma_semaphore, #tpu.memory_space<semaphore_mem>>) src(%dma_wait3A_253 : memref<64x128xf32, #tpu.memory_space<vmem>>) dst(%dma_wait3A_249 : memref<64x128xf32, #tpu.memory_space<hbm>>)
    return
  }
}

</mosaic_0001>

<sc_bundles>
// kernel: kernel.3.cloned.1.call-start
scs
__scs_entry_jumppad:
0x0: {  	(pc) =	sbr.rel $0x88, $3  }
0x1: {  	(tag) =	ssettag $0x0;
	lr =	simm.s32 $0x1  }
0x2: {  	[smem:$0x3F9E] =	sst lr;
	_ =	strace $0xD0000000  }
0x3: {  	_ = 	snop  }
0x4: {  	_ = 	snop  }
0x5: {  	_ = 	snop  }
0x6: {  	_ = 	snop  }
0x7: {  	_ = 	snop  }
__scs_overlays_trampoline_lowered:
0x8: {  	[smem:$0x3FAD] =	sst s0  }
0x9: {  	[smem:$0x3FAE] =	sst s1  }
0xa: {  	[smem:$0x3FAF] =	sst s2  }
0xb: {  	[smem:$0x3FB0] =	sst s3  }
0xc: {  	[smem:$0x3FB1] =	sst s4  }
0xd: {  	[smem:$0x3FB2] =	sst s5  }
0xe: {  	[smem:$0x3FB3] =	sst s6  }
0xf: {  	[smem:$0x3FB4] =	sst s7  }
0x10: {  	[smem:$0x3FB5] =	sst s8  }
0x11: {  	[smem:$0x3FB6] =	sst s9;
	s0 =	simm.s32 @!p0 $0x0  }
0x12: {  	s1 =	sld [smem:$0x3F9C];
	s0 =	simm.s32 @p0 $0x1  }
0x13: {  	[smem:$0x3FB7] =	sst s0;
	s0 =	simm.s32 @!p1 $0x0  }
0x14: {  	s2 =	sld [smem:$0x3F9B];
	s0 =	simm.s32 @p1 $0x1  }
0x15: {  	[smem:$0x3FB8] =	sst s0;
	s0 =	simm.s32 @!p2 $0x0  }
0x16: {  	s3 =	sld [smem:$0x3FDB];
	s0 =	simm.s32 @p2 $0x1  }
0x17: {  	s4 =	simm.s32 $0x1BF5;
	[smem:$0x3FBA] =	sst s0  }
0x18: {  	s0 =	sld [smem:$0x3F9D];
	_ =	swait.ge [sflag:s4], $0x0  }
0x19: {  	s7 =	sld [smem:$0x3F9E]  }
0x1a: {  	s8 =	sadd.s32 $0xFFFFE003, lr  }
0x1b: {  	s9 =	sadd.s32 $0xFFFFFEF7, lr;
	s5 =	simm.s32 $0xFFFFFFFF;
	p2 =	slt.u32 s8, $0xFFFFF086  }
0x1c: {  	p1 =	slt.u32 s9, $0xF7A;
	s5 =	simm.s32 @!p2 $0x0  }
0x1d: {  	s5 =	simm.s32 @p1 $0x1;
	p0 =	seq.s32 s7, s2  }
0x1e: {  	s7 =	smul.u32 @!p0 $0xF7A, s2;
	p2 =	seq.s32 @!p0 s5, $0x0  }
0x1f: {  	s9 =	smul.u32 $0xF7A, s1;
	s8 =	simm.s32 @!p0 $0x1BF5;
	p2 =	por !p2, p0  }
0x20: {  	[sflag:s8] =	ssyncset.s32 @!p0 $0xFFFFF086;
	s6 =	sadd.s32 @!p0 s3, s7;
	s7 =	simm.s32 @!p0 $0x108  }
0x21: {  	s3 =	sadd.s32 s3, s9;
	s6 =	sadd.s32 @!p0 $0x88, s6;
	s7 =	simm.s32 @p2 $0x1082  }
0x22: {  	[simem:s7], [sflag:s8] =	dma.local @!p0 [hbm:s6], $0xF7A  }
0x23: {  	s9 =	sor.u32 $0xD0000000, s2;
	s6 =	simm.s32 $0x108;
	_ =	swait.ge @!p0 [sflag:s8], $0x0  }
0x24: {  	s3 =	sadd.s32 $0x88, s3;
	s6 =	simm.s32 @!p1 $0x1082;
	[sflag:s4] =	ssyncset.s32 $0xFFFFF086  }
0x25: {  	[simem:s6], [sflag:s4] =	dma.local [hbm:s3], $0xF7A  }
0x26: {  	[smem:$0x3F9E] =	sst s1;
	(tag) =	ssettag s2;
	_ =	strace s9  }
0x27: {  	s1 =	sld [smem:$0x3FAE]  }
0x28: {  	s2 =	sld [smem:$0x3FAF]  }
0x29: {  	s4 =	sld [smem:$0x3FB1]  }
0x2a: {  	p0 =	seq.s32 s5, $0x0;
	s5 =	sld [smem:$0x3FB2]  }
0x2b: {  	s6 =	sld [smem:$0x3FB3]  }
0x2c: {  	s7 =	sld [smem:$0x3FB4]  }
0x2d: {  	s3 =	simm.s32 $0x108;
	s8 =	sld [smem:$0x3FB5]  }
0x2e: {  	s3 =	simm.s32 @!p0 $0x1082;
	s9 =	sld [smem:$0x3FB6]  }
0x2f: {  	lr =	sadd.s32 s0, s3;
	s0 =	sld [smem:$0x3FAD]  }
0x30: {  	s3 =	sld [smem:$0x3FB0]  }
0x31: {  	[smem:$0x3FB9] =	sst s10  }
0x32: {  	s10 =	sld [smem:$0x3FB7];
	_ =	sdelay $0x3  }
0x33: {  	p0 =	seq.s32 s10, $0x1;
	s10 =	sld [smem:$0x3FB9];
	_ =	sdelay $0x3  }
0x34: {  	[smem:$0x3FB9] =	sst s10  }
0x35: {  	s10 =	sld [smem:$0x3FB8];
	_ =	sdelay $0x3  }
0x36: {  	p1 =	seq.s32 s10, $0x1;
	s10 =	sld [smem:$0x3FB9];
	_ =	sdelay $0x3  }
0x37: {  	[smem:$0x3FB9] =	sst s10  }
0x38: {  	s10 =	sld [smem:$0x3FBA]  }
0x39: {  	_ = 	snop;
	(pc) =	sbr.ind lr, $3  }
0x3a: {  	_ = 	snop  }
0x3b: {  	_ = 	snop  }
0x3c: {  	p2 =	seq.s32 s10, $0x1;
	s10 =	sld [smem:$0x3FB9]  }
0x3d: {  	_ =	shalt  }
0x3e: {  	_ =	shalt  }
0x3f: {  	_ =	shalt  }
0x40: {  	_ =	shalt  }
0x41: {  	_ =	shalt  }
0x42: {  	_ =	shalt  }
0x43: {  	_ =	shalt  }
0x44: {  	_ =	shalt  }
0x45: {  	_ =	shalt  }
0x46: {  	_ =	shalt  }
0x47: {  	_ =	shalt  }
0x48: {  	_ =	shalt  }
0x49: {  	_ =	shalt  }
0x4a: {  	_ =	shalt  }
0x4b: {  	_ =	shalt  }
0x4c: {  	_ =	shalt  }
0x4d: {  	_ =	shalt  }
0x4e: {  	_ =	shalt  }
0x4f: {  	_ =	shalt  }
0x50: {  	_ =	shalt  }
0x51: {  	_ =	shalt  }
0x52: {  	_ =	shalt  }
0x53: {  	_ =	shalt  }
0x54: {  	_ =	shalt  }
0x55: {  	_ =	shalt  }
0x56: {  	_ =	shalt  }
0x57: {  	_ =	shalt  }
0x58: {  	_ =	shalt  }
0x59: {  	_ =	shalt  }
0x5a: {  	_ =	shalt  }
0x5b: {  	_ =	shalt  }
0x5c: {  	_ =	shalt  }
0x5d: {  	_ =	shalt  }
0x5e: {  	_ =	shalt  }
0x5f: {  	_ =	shalt  }
0x60: {  	_ =	shalt  }
0x61: {  	_ =	shalt  }
0x62: {  	_ =	shalt  }
0x63: {  	_ =	shalt  }
0x64: {  	_ =	shalt  }
0x65: {  	_ =	shalt  }
0x66: {  	_ =	shalt  }
0x67: {  	_ =	shalt  }
0x68: {  	_ =	shalt  }
0x69: {  	_ =	shalt  }
0x6a: {  	_ =	shalt  }
0x6b: {  	_ =	shalt  }
0x6c: {  	_ =	shalt  }
0x6d: {  	_ =	shalt  }
0x6e: {  	_ =	shalt  }
0x6f: {  	_ =	shalt  }
0x70: {  	_ =	shalt  }
0x71: {  	_ =	shalt  }
0x72: {  	_ =	shalt  }
0x73: {  	_ =	shalt  }
0x74: {  	_ =	shalt  }
0x75: {  	_ =	shalt  }
0x76: {  	_ =	shalt  }
0x77: {  	_ =	shalt  }
0x78: {  	_ =	shalt  }
0x79: {  	_ =	shalt  }
0x7a: {  	_ =	shalt  }
0x7b: {  	_ =	shalt  }
0x7c: {  	_ =	shalt  }
0x7d: {  	_ =	shalt  }
0x7e: {  	_ =	shalt  }
0x7f: {  	_ =	shalt  }
0x80: {  	_ =	shalt  }
0x81: {  	_ =	shalt  }
0x82: {  	_ =	shalt  }
0x83: {  	_ =	shalt  }
0x84: {  	_ =	shalt  }
0x85: {  	_ =	shalt  }
0x86: {  	_ =	shalt  }
0x87: {  	_ =	shalt  }
.Lfunc_end0:
.L_simem_size_0:
called_computation_lowered:
.L_overlay_start_0:
0x88: {  	s2 =	sld [smem:$0x3FD9]  }
0x89: {  	s3 =	sld [smem:$0x3FFE];
	_ =	sdelay $0x1  }
0x8a: {  	s1 =	srdreg.scid  }
0x8b: {  	s0 =	sand.u32 $0x1, s1  }
0x8c: {  	s18 =	sshll.u32 s0, $0xA;
	s2 =	sadd.s32 s3, s2  }
0x8d: {  	s2 =	sadd.s32 s2, s18  }
0x8e: {  	[smem:$0x3FC5] =	sst s2  }
0x8f: {  	_ = 	snop  }
0x90: {  	s2 =	sld [smem:$0x3FC9]  }
0x91: {  	s19 =	sld [smem:$0x3FC8]  }
0x92: {  	s4 =	sld [smem:$0x3FC7]  }
0x93: {  	s5 =	sld [smem:$0x3FD0];
	(tm) =	ssettm $0x1  }
0x94: {  	s6 =	sld [smem:$0x3FFB];
	_ =	sdelay $0x3  }
0x95: {  	_ =	strace s6  }
0x96: {  	s6 =	sld [smem:$0x3FFC];
	_ =	sdelay $0x3  }
0x97: {  	_ =	strace s6  }
0x98: {  	s6 =	sld [smem:$0x3FFD];
	_ =	sdelay $0x3  }
0x99: {  	_ =	strace s6  }
0x9a: {  	_ =	strace $0x8FFFFFFF  }
0x9b: {  	s20 =	sld [smem:$0x3FDB];
	_ =	sdelay $0x1  }
0x9c: {  	s7 =	simm.s32 $_scs_section_size  }
0x9d: {  	s8 =	simm.s32 $_size__tile_overlayer_lowered;
	s9 =	simm.s32 $_tile_overlayer_lowered  }
0x9e: {  	s23 =	simm.s32 $0x1BFF;
	s22 =	sshll.u32 s9, $0x1;
	s6 =	sadd.s32 s7, s20  }
0x9f: {  	s10 =	simm.s32 $0x0;
	s21 =	sshll.u32 s8, $0x1;
	s8 =	sadd.s32 s22, s6  }
0xa0: {  	[timem:s10], [sflag:s23] =	dma.local [hbm:s8], s21  }
0xa1: {  	_ =	swait.ge [sflag:s23], s21  }
0xa2: {  	s7 =	ssub.s32 $0x0, s21;
	[sflag:s23] =	ssyncset.done $0x0  }
0xa3: {  	[sflag:s23] =	ssyncadd.s32 s7;
	_ =	sdelay $0x1  }
0xa4: {  	s24 =	simm.s32 $0x1B8B  }
0xa5: {  	_ =	swait.ge [sflag:s24], $0x1  }
0xa6: {  	[sflag:s24] =	ssyncset.done $0x0  }
0xa7: {  	s25 =	simm.s32 $0x1B8E;
	[sflag:s24] =	ssyncadd.s32 $0xFFFFFFFF  }
0xa8: {  	s26 =	simm.s32 $execute0_lowered;
	[smem:$0x3FD2] =	sst s25  }
0xa9: {  	s7 =	sshll.u32 s26, $0x1;
	_ =	strace $0x80000046;
	[dreg:$0x1] =	wrdreg $0xFFFFFFFF  }
0xaa: {  	s28 =	simm.s32 $_size_execute0_lowered;
	s6 =	sadd.s32 s6, s7;
	[dreg:$0x0] =	wrdreg $0x0  }
0xab: {  	s7 =	sshll.u32 s28, $0x1;
	[dreg:$0x2] =	wrdreg s6  }
0xac: {  	[dreg:$0x3] =	wrdreg s7  }
0xad: {  	[dreg:$0x4] =	wrdreg $0xC0  }
0xae: {  	_ =	task [dreg:s10], $0x5FFFF  }
0xaf: {  	[dreg:$0x1] =	wrdreg $0xFFFFFFFF  }
0xb0: {  	[dreg:$0x0] =	wrdreg $0x60  }
0xb1: {  	[dreg:$0x2] =	wrdreg s2  }
0xb2: {  	[dreg:$0x3] =	wrdreg s19  }
0xb3: {  	[dreg:$0x4] =	wrdreg s4  }
0xb4: {  	[dreg:$0x5] =	wrdreg s5  }
0xb5: {  	[dreg:$0x6] =	wrdreg $0x9  }
0xb6: {  	_ =	task.clear_ibuf [dreg:s10], $0x7FFFF;
	_ =	strace $0x90000046  }
0xb7: {  	s29 =	simm.s32 $0x9;
	_ =	strace $0x80000048  }
0xb8: {  	_ =	swait.ge [sflag:s29], $0x1  }
0xb9: {  	[sflag:s29] =	ssyncadd.s32 $0xFFFFFFFF  }
0xba: {  	_ =	strace $0x90000048  }
0xbb: {  	_ =	sfence  }
0xbc: {  	s30 =	sld [smem:$0x0];
	_ =	sdelay $0x2  }
0xbd: {  	s31 =	sshll.u32 s1, $0xD;
	s1 =	sshrl.u32 s1, $0x2  }
0xbe: {  	s3 =	sand.u32 $0x4000, s31;
	s1 =	sadd.s32 s1, s30  }
0xbf: {  	s0 =	sor.u32 s3, s0;
	s1 =	sshll.u32 s1, $0x11  }
0xc0: {  	s0 =	sor.u32 s1, s0  }
0xc1: {  	s0 =	sadd.s32 $0x8F2B, s0  }
0xc2: {  	[sflag:s0] =	ssyncadd.remote.s32 $0x1  }
0xc3: {  	_ =	sfence.sel $0xFFFF  }
0xc4: {  	[dreg:$0x0] =	wrdreg $0xFFFFFFFF;
	(pc) =	sbr.abs _section_cstart, $3  }
0xc5: {  	[dreg:$0x1] =	wrdreg $0xFFFFFFFF  }
0xc6: {  	_ =	task.clear_ibuf [dreg:s10], $0x2FFFF;
	_ =	strace $0x9FFFFFFF  }
0xc7: {  	(tm) =	ssettm $0x7FFFFFFF  }
tec
execute0_lowered:
.L_overlay_start_1:
0x0: {  	(tag) =	ssettag $0x1  }
0x1: {  	s1 =	srdreg.scid;
	s7 =	rddreg [dreg:$0x0]  }
0x2: {  	s0 =	stileid.u32;
	s9 =	rddreg [dreg:$0x2]  }
0x3: {  	s8 =	rddreg [dreg:$0x3];
	s3 =	simm.s32 $0x0;
	s14 =	simm.s32 $0x40  }
0x4: {  	s15 =	simm.s32 $0x80;
	s16 =	simm.s32 $0xC0;
	s17 =	simm.s32 $0x8100  }
0x5: {  	s18 =	simm.s32 $0x1;
	s19 =	simm.s32 $0x100;
	s20 =	simm.s32 $0x4100  }
0x6: {  	s21 =	simm.s32 $0x2;
	s22 =	simm.s32 $0x3;
	s23 =	simm.s32 $0x2100  }
0x7: {  	s24 =	simm.s32 $0x6100;
	s25 =	simm.s32 $0x4;
	s26 =	simm.s32 $0x0  }
0x8: {  	s4 =	sand.u32 $0x1, s1;
	s1 =	rddreg [dreg:$0x1];
	s2 =	sshll.u32 s0, $0x7  }
0x9: {  	[smem:$0x7FF] =	sst s3;
	s5 =	sshll.u32 s4, $0x6;
	s12 =	ssub.s32 $0x2, s4  }
0xa: {  	s6 =	sor.u32 s5, s2;
	s2 =	rddreg [dreg:$0x4];
	s29 =	sshrl.u32 s12, $0x1  }
0xb: {  	_ =	strace $0x80000047;
	s10 =	sshll.u32 s6, $0x2;
	s13 =	ssub.s32 s12, s29  }
0xc: {  	s31 =	sshll.u32 s6, $0x4;
	s11 =	sand.u32 $0x1E00, s10;
	s10 =	sor.u32 s5, s10  }
0xd: {  	s8 =	sadd.s32 s8, s31;
	s9 =	sadd.s32 s9, s31;
	s13 =	smax.u32 s13, $0x1  }
0xe: {  	s11 =	sor.u32 s5, s11;
	s10 =	sshrl.u32 s10, $0x3;
	s12 =	sadd.s32 $0x18000, s8  }
0xf: {  	s28 =	sshrl.u32 s11, $0x3;
	s30 =	sor.u32 $0x20, s10;
	s10 =	sor.u32 $0x30, s10  }
0x10: {  	s11 =	sadd.s32 $0x10000, s8;
	s4 =	sadd.s32 s7, s28;
	s6 =	sadd.s32 s7, s30  }
0x11: {  	s7 =	sadd.s32 s7, s10;
	s10 =	sadd.s32 $0x8000, s8;
	s5 =	sadd.s32 $0x10, s4  }
.LBB2_1:
0x12: {  	[tilespmem:s3], [sflag:$0x1] =	stream.linear.gather [hbm4b:s4+s3], $0x40, $0x38;
	[tilespmem:$0xA100] =	vst v63  }
0x13: {  	_ = 	snop  }
0x14: {  	[tilespmem:s14], [sflag:$0x1] =	stream.linear.gather [hbm4b:s5+s3], $0x40, $0x38;
	[tilespmem:$0xA100] =	vst v63  }
0x15: {  	_ = 	snop  }
0x16: {  	[tilespmem:s15], [sflag:$0x1] =	stream.linear.gather [hbm4b:s6+s3], $0x40, $0x38;
	[tilespmem:$0xA100] =	vst v63  }
0x17: {  	_ = 	snop  }
0x18: {  	[tilespmem:s16], [sflag:$0x1] =	stream.linear.gather [hbm4b:s7+s3], $0x40, $0x38;
	[tilespmem:$0xA100] =	vst v63  }
0x19: {  	_ = 	snop  }
0x1a: {  	[tilespmem:s17], [sflag:$0x2] =	stream.linear.gather [hbm4b:s9+s3], $0x2000, $0x38;
	[tilespmem:$0xA100] =	vst v63  }
0x1b: {  	_ =	swait.ge [sflag:s18], $0x40  }
0x1c: {  	[sflag:s18] =	ssyncset.done $0x0  }
0x1d: {  	[sflag:s18] =	ssyncadd.s32 $0xFFFFFFC0  }
0x1e: {  	_ =	swait.ge [sflag:s18], $0x40  }
0x1f: {  	[sflag:s18] =	ssyncset.done $0x0  }
0x20: {  	[sflag:s18] =	ssyncadd.s32 $0xFFFFFFC0  }
0x21: {  	[tilespmem:s19], [sflag:$0x3] =	stream.indirect.gather [hbm4b:s1+s15], $0x80, s3, s15, $0xb8;
	[tilespmem:$0xA100] =	vst v63  }
0x22: {  	_ =	swait.ge [sflag:s18], $0x40  }
0x23: {  	[sflag:s18] =	ssyncset.done $0x0  }
0x24: {  	[sflag:s18] =	ssyncadd.s32 $0xFFFFFFC0  }
0x25: {  	_ =	swait.ge [sflag:s18], $0x40  }
0x26: {  	[sflag:s18] =	ssyncset.done $0x0  }
0x27: {  	[sflag:s18] =	ssyncadd.s32 $0xFFFFFFC0  }
0x28: {  	[tilespmem:s20], [sflag:$0x3] =	stream.indirect.gather [hbm4b:s1+s15], $0x80, s15, s15, $0xb8;
	[tilespmem:$0xA100] =	vst v63  }
0x29: {  	_ =	swait.ge [sflag:s21], $0x2000  }
0x2a: {  	[sflag:s21] =	ssyncset.done $0x0  }
0x2b: {  	[sflag:s21] =	ssyncadd.s32 $0xFFFFE000  }
0x2c: {  	_ =	swait.ge [sflag:s22], $0x4000  }
0x2d: {  	[sflag:s22] =	ssyncset.done $0x0  }
0x2e: {  	s28 =	simm.s32 $0x0;
	[sflag:s22] =	ssyncadd.s32 $0xFFFFC000  }
0x2f: {  	v1 =	vld [tilespmem:s28+$0x2170]  }
0x30: {  	v2 =	vld [tilespmem:s28+$0x100]  }
0x31: {  	v0 =	vld [tilespmem:s28+$0x8170]  }
0x32: {  	v3 =	vld [tilespmem:s28+$0x2100]  }
0x33: {  	v4 =	vld [tilespmem:s28+$0x110]  }
0x34: {  	v5 =	vld [tilespmem:s28+$0x2110]  }
0x35: {  	v6 =	vld [tilespmem:s28+$0x120]  }
0x36: {  	v7 =	vld [tilespmem:s28+$0x2120]  }
0x37: {  	v9 =	vld [tilespmem:s28+$0x130]  }
0x38: {  	v10 =	vld [tilespmem:s28+$0x2130]  }
0x39: {  	v11 =	vld [tilespmem:s28+$0x2140]  }
0x3a: {  	v12 =	vld [tilespmem:s28+$0x150]  }
0x3b: {  	v13 =	vld [tilespmem:s28+$0x2150]  }
0x3c: {  	v14 =	vld [tilespmem:s28+$0x160]  }
0x3d: {  	v18 =	vld [tilespmem:s28+$0x2160];
	v1 =	vmul.f32 $1.131370830e+01, v1  }
0x3e: {  	v22 =	vld [tilespmem:s28+$0x170]  }
0x3f: {  	v24 =	vld [tilespmem:s28+$0x8100];
	v17 =	vmul.f32 $1.131370830e+01, v2;
	v19 =	vmul.f32 $1.131370830e+01, v3;
	v1 =	vadd.f32 v1, v0  }
0x40: {  	v25 =	vld [tilespmem:s28+$0x8110];
	v21 =	vmul.f32 $1.131370830e+01, v4;
	v23 =	vmul.f32 $1.131370830e+01, v5  }
0x41: {  	v3 =	vmul.f32 $1.131370830e+01, v6;
	v8 =	vmul.f32 $1.131370830e+01, v7;
	[tilespmem:s28+$0x2170] =	vst v1;
	v1 =	vld [tilespmem:s28+$0x140]  }
0x42: {  	v16 =	vld [tilespmem:s28+$0x8120];
	v4 =	vmul.f32 $1.131370830e+01, v9;
	v9 =	vmul.f32 $1.131370830e+01, v10  }
0x43: {  	v15 =	vld [tilespmem:s28+$0x8130];
	v11 =	vmul.f32 $1.131370830e+01, v11;
	v7 =	vmul.f32 $1.131370830e+01, v12  }
0x44: {  	v10 =	vmul.f32 $1.131370830e+01, v13;
	v2 =	vmul.f32 $1.131370830e+01, v14;
	v14 =	vld [tilespmem:s28+$0x8140];
	v20 =	vadd.f32 v17, v24  }
0x45: {  	v6 =	vmul.f32 $1.131370830e+01, v18;
	v12 =	vld [tilespmem:s28+$0x8150];
	v18 =	vadd.f32 v19, v24;
	v19 =	vadd.f32 v21, v25  }
0x46: {  	s29 =	simm.s32 $0x80;
	s30 =	simm.s32 $0x400;
	v13 =	vld [tilespmem:s28+$0x8160];
	v17 =	vadd.f32 v23, v25;
	v5 =	vmul.f32 $1.131370830e+01, v1;
	v1 =	vmul.f32 $1.131370830e+01, v22  }
.LBB2_2:
0x47: {  	p0 =	sne.s32 s30, $0x7E00;
	v21 =	vld [tilespmem:s29+$0x2170];
	[tilespmem:s28+$0x100] =	vst v20;
	v3 =	vadd.f32 v3, v16;
	v8 =	vadd.f32 v8, v16  }
0x48: {  	v16 =	vld [tilespmem:s29+$0x100];
	[tilespmem:s28+$0x2100] =	vst v18;
	v4 =	vadd.f32 v4, v15;
	v9 =	vadd.f32 v9, v15  }
0x49: {  	v15 =	vld [tilespmem:s29+$0x8170];
	[tilespmem:s28+$0x110] =	vst v19;
	v5 =	vadd.f32 v5, v14;
	v11 =	vadd.f32 v11, v14  }
0x4a: {  	v14 =	vld [tilespmem:s29+$0x2100];
	[tilespmem:s28+$0x2110] =	vst v17;
	v7 =	vadd.f32 v7, v12;
	v10 =	vadd.f32 v10, v12  }
0x4b: {  	v12 =	vld [tilespmem:s29+$0x110];
	[tilespmem:s28+$0x120] =	vst v3;
	v2 =	vadd.f32 v2, v13;
	v6 =	vadd.f32 v6, v13  }
0x4c: {  	v1 =	vadd.f32 v1, v0;
	v3 =	vld [tilespmem:s29+$0x2110];
	v13 =	vmul.f32 $1.131370830e+01, v21;
	[tilespmem:s28+$0x2120] =	vst v8  }
0x4d: {  	v17 =	vmul.f32 $1.131370830e+01, v16;
	v8 =	vld [tilespmem:s29+$0x120];
	[tilespmem:s28+$0x130] =	vst v4  }
0x4e: {  	v4 =	vld [tilespmem:s29+$0x2120];
	v13 =	vadd.f32 v13, v15;
	[tilespmem:s28+$0x2130] =	vst v9;
	v0 =	vmov v15  }
0x4f: {  	v18 =	vmul.f32 $1.131370830e+01, v14;
	v9 =	vld [tilespmem:s29+$0x130];
	[tilespmem:s28+$0x140] =	vst v5  }
0x50: {  	v19 =	vmul.f32 $1.131370830e+01, v12;
	v5 =	vld [tilespmem:s29+$0x2130];
	[tilespmem:s29+$0x2170] =	vst v13  }
0x51: {  	v13 =	vmul.f32 $1.131370830e+01, v3;
	v12 =	vld [tilespmem:s29+$0x140];
	[tilespmem:s28+$0x2140] =	vst v11  }
0x52: {  	v3 =	vmul.f32 $1.131370830e+01, v8;
	v11 =	vld [tilespmem:s29+$0x2140];
	[tilespmem:s28+$0x150] =	vst v7  }
0x53: {  	v8 =	vmul.f32 $1.131370830e+01, v4;
	v7 =	vld [tilespmem:s29+$0x150];
	[tilespmem:s28+$0x2150] =	vst v10  }
0x54: {  	v4 =	vmul.f32 $1.131370830e+01, v9;
	v10 =	vld [tilespmem:s29+$0x2150];
	[tilespmem:s28+$0x160] =	vst v2  }
0x55: {  	v9 =	vmul.f32 $1.131370830e+01, v5;
	v2 =	vld [tilespmem:s29+$0x160];
	[tilespmem:s28+$0x2160] =	vst v6  }
0x56: {  	v5 =	vmul.f32 $1.131370830e+01, v12;
	v6 =	vld [tilespmem:s29+$0x2160];
	[tilespmem:s28+$0x170] =	vst v1;
	s28 =	smov.u32 s29  }
0x57: {  	v11 =	vmul.f32 $1.131370830e+01, v11;
	v1 =	vld [tilespmem:s28+$0x170]  }
0x58: {  	v12 =	vld [tilespmem:s28+$0x8100];
	v7 =	vmul.f32 $1.131370830e+01, v7  }
0x59: {  	v21 =	vld [tilespmem:s28+$0x8110];
	v10 =	vmul.f32 $1.131370830e+01, v10  }
.Ltmp0:
0x5a: {  	v16 =	vld [tilespmem:s28+$0x8120];
	v2 =	vmul.f32 $1.131370830e+01, v2;
	(pc) =	sbr.rel @p0 .LBB2_2-.Ltmp0, $4  }
0x5b: {  	v15 =	vld [tilespmem:s28+$0x8130];
	v6 =	vmul.f32 $1.131370830e+01, v6  }
0x5c: {  	v14 =	vld [tilespmem:s28+$0x8140];
	v1 =	vmul.f32 $1.131370830e+01, v1  }
0x5d: {  	v20 =	vadd.f32 v17, v12;
	v18 =	vadd.f32 v18, v12;
	v12 =	vld [tilespmem:s28+$0x8150]  }
0x5e: {  	s29 =	sshra.s32 s30, $0x2;
	s30 =	sadd.s32 $0x200, s30;
	v19 =	vadd.f32 v19, v21;
	v17 =	vadd.f32 v13, v21;
	v13 =	vld [tilespmem:s28+$0x8160]  }
0x5f: {  	v21 =	vld [tilespmem:s29+$0x2170]  }
0x60: {  	v22 =	vld [tilespmem:s29+$0x100]  }
0x61: {  	v23 =	vld [tilespmem:s29+$0x8170];
	[tilespmem:s28+$0x100] =	vst v20  }
0x62: {  	v24 =	vld [tilespmem:s29+$0x2100];
	[tilespmem:s28+$0x2100] =	vst v18  }
0x63: {  	v25 =	vld [tilespmem:s29+$0x110];
	v3 =	vadd.f32 v3, v16;
	[tilespmem:s28+$0x110] =	vst v19  }
0x64: {  	v26 =	vld [tilespmem:s29+$0x2110];
	v8 =	vadd.f32 v8, v16;
	[tilespmem:s28+$0x2110] =	vst v17  }
0x65: {  	v27 =	vld [tilespmem:s29+$0x120];
	v0 =	vadd.f32 v1, v0;
	[tilespmem:s28+$0x120] =	vst v3  }
0x66: {  	v28 =	vld [tilespmem:s29+$0x2120];
	v4 =	vadd.f32 v4, v15;
	[tilespmem:s28+$0x2120] =	vst v8  }
0x67: {  	v29 =	vld [tilespmem:s29+$0x130];
	v9 =	vadd.f32 v9, v15;
	[tilespmem:s28+$0x170] =	vst v0  }
0x68: {  	v20 =	vld [tilespmem:s29+$0x2130];
	v5 =	vadd.f32 v5, v14;
	[tilespmem:s28+$0x130] =	vst v4  }
0x69: {  	v18 =	vld [tilespmem:s29+$0x140];
	v11 =	vadd.f32 v11, v14;
	[tilespmem:s28+$0x2130] =	vst v9  }
0x6a: {  	v7 =	vadd.f32 v7, v12;
	[tilespmem:s28+$0x140] =	vst v5;
	v5 =	vld [tilespmem:s29+$0x8100]  }
0x6b: {  	v16 =	vld [tilespmem:s29+$0x150];
	v10 =	vadd.f32 v10, v12;
	[tilespmem:s28+$0x2140] =	vst v11  }
0x6c: {  	v11 =	vld [tilespmem:s29+$0x8110];
	v2 =	vadd.f32 v2, v13;
	v21 =	vmul.f32 $1.131370830e+01, v21;
	[tilespmem:s28+$0x150] =	vst v7  }
0x6d: {  	v19 =	vld [tilespmem:s29+$0x2140];
	v6 =	vadd.f32 v6, v13;
	v12 =	vmul.f32 $1.131370830e+01, v22;
	[tilespmem:s28+$0x2150] =	vst v10  }
0x6e: {  	v7 =	vld [tilespmem:s29+$0x8120];
	v1 =	vmul.f32 $1.131370830e+01, v24;
	[tilespmem:s28+$0x160] =	vst v2;
	v21 =	vadd.f32 v21, v23  }
0x6f: {  	v3 =	vld [tilespmem:s29+$0x2150];
	v13 =	vmul.f32 $1.131370830e+01, v25;
	[tilespmem:s28+$0x2160] =	vst v6;
	v6 =	vadd.f32 v12, v5  }
0x70: {  	v10 =	vld [tilespmem:s29+$0x8130];
	v0 =	vmul.f32 $1.131370830e+01, v26;
	[tilespmem:s29+$0x2170] =	vst v21;
	v1 =	vadd.f32 v1, v5  }
0x71: {  	v8 =	vld [tilespmem:s29+$0x160];
	v14 =	vmul.f32 $1.131370830e+01, v27;
	v13 =	vadd.f32 v13, v11;
	[tilespmem:s29+$0x100] =	vst v6  }
0x72: {  	v2 =	vld [tilespmem:s29+$0x8140];
	v0 =	vadd.f32 v0, v11;
	v6 =	vmul.f32 $1.131370830e+01, v28;
	[tilespmem:s29+$0x2100] =	vst v1  }
0x73: {  	v4 =	vld [tilespmem:s29+$0x2160];
	v11 =	vadd.f32 v14, v7;
	v1 =	vmul.f32 $1.131370830e+01, v29;
	[tilespmem:s29+$0x110] =	vst v13  }
0x74: {  	v12 =	vld [tilespmem:s29+$0x8150];
	v13 =	vmul.f32 $1.131370830e+01, v20;
	[tilespmem:s29+$0x2110] =	vst v0;
	v6 =	vadd.f32 v6, v7  }
0x75: {  	v9 =	vld [tilespmem:s29+$0x170];
	v0 =	vmul.f32 $1.131370830e+01, v18;
	[tilespmem:s29+$0x120] =	vst v11;
	v1 =	vadd.f32 v1, v10  }
0x76: {  	v5 =	vld [tilespmem:s29+$0x8160];
	v7 =	vmul.f32 $1.131370830e+01, v19;
	v10 =	vadd.f32 v13, v10;
	[tilespmem:s29+$0x2120] =	vst v6  }
0x77: {  	v0 =	vadd.f32 v0, v2;
	v6 =	vmul.f32 $1.131370830e+01, v16;
	[tilespmem:s29+$0x130] =	vst v1  }
0x78: {  	v1 =	vmul.f32 $1.131370830e+01, v3;
	v2 =	vadd.f32 v7, v2;
	[tilespmem:s29+$0x2130] =	vst v10  }
0x79: {  	v3 =	vmul.f32 $1.131370830e+01, v8;
	[tilespmem:s29+$0x140] =	vst v0;
	v6 =	vadd.f32 v6, v12  }
0x7a: {  	v0 =	vmul.f32 $1.131370830e+01, v4;
	v1 =	vadd.f32 v1, v12;
	[tilespmem:s29+$0x2140] =	vst v2  }
0x7b: {  	v2 =	vmul.f32 $1.131370830e+01, v9;
	v3 =	vadd.f32 v3, v5;
	[tilespmem:s29+$0x150] =	vst v6  }
0x7c: {  	v0 =	vadd.f32 v0, v5;
	[tilespmem:s29+$0x2150] =	vst v1  }
0x7d: {  	v1 =	vadd.f32 v2, v23;
	[tilespmem:s29+$0x160] =	vst v3  }
0x7e: {  	[tilespmem:s29+$0x2160] =	vst v0  }
0x7f: {  	s28 =	simm.s32 $0x0;
	[tilespmem:s29+$0x170] =	vst v1  }
0x80: {  	[hbm4b:s8+s28] =	stream.linear.scatter [tilespmem:s19], [sflag:$0x4], $0x2000, $0x38;
	[tilespmem:$0xA100] =	vst v63  }
0x81: {  	_ = 	snop  }
0x82: {  	[hbm4b:s10+s28] =	stream.linear.scatter [tilespmem:s23], [sflag:$0x4], $0x2000, $0x38;
	[tilespmem:$0xA100] =	vst v63  }
0x83: {  	_ =	swait.ge [sflag:s22], $0x4000  }
0x84: {  	[sflag:s22] =	ssyncset.done $0x0  }
0x85: {  	s28 =	simm.s32 $0x0;
	[sflag:s22] =	ssyncadd.s32 $0xFFFFC000  }
0x86: {  	v1 =	vld [tilespmem:s28+$0x6170]  }
0x87: {  	v2 =	vld [tilespmem:s28+$0x4100]  }
0x88: {  	v0 =	vld [tilespmem:s28+$0x8170]  }
0x89: {  	v3 =	vld [tilespmem:s28+$0x6100]  }
0x8a: {  	v4 =	vld [tilespmem:s28+$0x4110]  }
0x8b: {  	v5 =	vld [tilespmem:s28+$0x6110]  }
0x8c: {  	v6 =	vld [tilespmem:s28+$0x4120]  }
0x8d: {  	v7 =	vld [tilespmem:s28+$0x6120]  }
0x8e: {  	v9 =	vld [tilespmem:s28+$0x4130]  }
0x8f: {  	v10 =	vld [tilespmem:s28+$0x6130]  }
0x90: {  	v11 =	vld [tilespmem:s28+$0x6140]  }
0x91: {  	v12 =	vld [tilespmem:s28+$0x4150]  }
0x92: {  	v13 =	vld [tilespmem:s28+$0x6150]  }
0x93: {  	v14 =	vld [tilespmem:s28+$0x4160]  }
0x94: {  	v18 =	vld [tilespmem:s28+$0x6160];
	v1 =	vmul.f32 $1.131370830e+01, v1  }
0x95: {  	v22 =	vld [tilespmem:s28+$0x4170]  }
0x96: {  	v62 =	vld [tilespmem:s28+$0x8100];
	v17 =	vmul.f32 $1.131370830e+01, v2;
	v19 =	vmul.f32 $1.131370830e+01, v3;
	v1 =	vadd.f32 v1, v0  }
0x97: {  	v63 =	vld [tilespmem:s28+$0x8110];
	v21 =	vmul.f32 $1.131370830e+01, v4;
	v23 =	vmul.f32 $1.131370830e+01, v5  }
0x98: {  	v3 =	vmul.f32 $1.131370830e+01, v6;
	v8 =	vmul.f32 $1.131370830e+01, v7;
	[tilespmem:s28+$0x6170] =	vst v1;
	v1 =	vld [tilespmem:s28+$0x4140]  }
0x99: {  	v16 =	vld [tilespmem:s28+$0x8120];
	v4 =	vmul.f32 $1.131370830e+01, v9;
	v9 =	vmul.f32 $1.131370830e+01, v10  }
0x9a: {  	v15 =	vld [tilespmem:s28+$0x8130];
	v11 =	vmul.f32 $1.131370830e+01, v11;
	v7 =	vmul.f32 $1.131370830e+01, v12  }
0x9b: {  	v10 =	vmul.f32 $1.131370830e+01, v13;
	v2 =	vmul.f32 $1.131370830e+01, v14;
	v14 =	vld [tilespmem:s28+$0x8140];
	v20 =	vadd.f32 v17, v62  }
0x9c: {  	v6 =	vmul.f32 $1.131370830e+01, v18;
	v12 =	vld [tilespmem:s28+$0x8150];
	v18 =	vadd.f32 v19, v62;
	v19 =	vadd.f32 v21, v63  }
0x9d: {  	s30 =	simm.s32 $0x400;
	s29 =	simm.s32 $0x80;
	v13 =	vld [tilespmem:s28+$0x8160];
	v17 =	vadd.f32 v23, v63;
	v5 =	vmul.f32 $1.131370830e+01, v1;
	v1 =	vmul.f32 $1.131370830e+01, v22  }
.LBB2_4:
0x9e: {  	p0 =	sne.s32 s30, $0x7E00;
	v21 =	vld [tilespmem:s29+$0x6170];
	[tilespmem:s28+$0x4100] =	vst v20;
	v3 =	vadd.f32 v3, v16;
	v8 =	vadd.f32 v8, v16  }
0x9f: {  	v16 =	vld [tilespmem:s29+$0x4100];
	[tilespmem:s28+$0x6100] =	vst v18;
	v4 =	vadd.f32 v4, v15;
	v9 =	vadd.f32 v9, v15  }
0xa0: {  	v15 =	vld [tilespmem:s29+$0x8170];
	[tilespmem:s28+$0x4110] =	vst v19;
	v5 =	vadd.f32 v5, v14;
	v11 =	vadd.f32 v11, v14  }
0xa1: {  	v14 =	vld [tilespmem:s29+$0x6100];
	[tilespmem:s28+$0x6110] =	vst v17;
	v7 =	vadd.f32 v7, v12;
	v10 =	vadd.f32 v10, v12  }
0xa2: {  	v12 =	vld [tilespmem:s29+$0x4110];
	[tilespmem:s28+$0x4120] =	vst v3;
	v2 =	vadd.f32 v2, v13;
	v6 =	vadd.f32 v6, v13  }
0xa3: {  	v1 =	vadd.f32 v1, v0;
	v3 =	vld [tilespmem:s29+$0x6110];
	v13 =	vmul.f32 $1.131370830e+01, v21;
	[tilespmem:s28+$0x6120] =	vst v8  }
0xa4: {  	v17 =	vmul.f32 $1.131370830e+01, v16;
	v8 =	vld [tilespmem:s29+$0x4120];
	[tilespmem:s28+$0x4130] =	vst v4  }
0xa5: {  	v4 =	vld [tilespmem:s29+$0x6120];
	v13 =	vadd.f32 v13, v15;
	[tilespmem:s28+$0x6130] =	vst v9;
	v0 =	vmov v15  }
0xa6: {  	v18 =	vmul.f32 $1.131370830e+01, v14;
	v9 =	vld [tilespmem:s29+$0x4130];
	[tilespmem:s28+$0x4140] =	vst v5  }
0xa7: {  	v19 =	vmul.f32 $1.131370830e+01, v12;
	v5 =	vld [tilespmem:s29+$0x6130];
	[tilespmem:s29+$0x6170] =	vst v13  }
0xa8: {  	v13 =	vmul.f32 $1.131370830e+01, v3;
	v12 =	vld [tilespmem:s29+$0x4140];
	[tilespmem:s28+$0x6140] =	vst v11  }
0xa9: {  	v3 =	vmul.f32 $1.131370830e+01, v8;
	v11 =	vld [tilespmem:s29+$0x6140];
	[tilespmem:s28+$0x4150] =	vst v7  }
0xaa: {  	v8 =	vmul.f32 $1.131370830e+01, v4;
	v7 =	vld [tilespmem:s29+$0x4150];
	[tilespmem:s28+$0x6150] =	vst v10  }
0xab: {  	v4 =	vmul.f32 $1.131370830e+01, v9;
	v10 =	vld [tilespmem:s29+$0x6150];
	[tilespmem:s28+$0x4160] =	vst v2  }
0xac: {  	v9 =	vmul.f32 $1.131370830e+01, v5;
	v2 =	vld [tilespmem:s29+$0x4160];
	[tilespmem:s28+$0x6160] =	vst v6  }
0xad: {  	v5 =	vmul.f32 $1.131370830e+01, v12;
	v6 =	vld [tilespmem:s29+$0x6160];
	[tilespmem:s28+$0x4170] =	vst v1;
	s28 =	smov.u32 s29  }
0xae: {  	v11 =	vmul.f32 $1.131370830e+01, v11;
	v1 =	vld [tilespmem:s28+$0x4170]  }
0xaf: {  	v12 =	vld [tilespmem:s28+$0x8100];
	v7 =	vmul.f32 $1.131370830e+01, v7  }
0xb0: {  	v21 =	vld [tilespmem:s28+$0x8110];
	v10 =	vmul.f32 $1.131370830e+01, v10  }
.Ltmp1:
0xb1: {  	v16 =	vld [tilespmem:s28+$0x8120];
	v2 =	vmul.f32 $1.131370830e+01, v2;
	(pc) =	sbr.rel @p0 .LBB2_4-.Ltmp1, $4  }
0xb2: {  	v15 =	vld [tilespmem:s28+$0x8130];
	v6 =	vmul.f32 $1.131370830e+01, v6  }
0xb3: {  	v14 =	vld [tilespmem:s28+$0x8140];
	v1 =	vmul.f32 $1.131370830e+01, v1  }
0xb4: {  	v20 =	vadd.f32 v17, v12;
	v18 =	vadd.f32 v18, v12;
	v12 =	vld [tilespmem:s28+$0x8150]  }
0xb5: {  	s29 =	sshra.s32 s30, $0x2;
	s30 =	sadd.s32 $0x200, s30;
	v19 =	vadd.f32 v19, v21;
	v17 =	vadd.f32 v13, v21;
	v13 =	vld [tilespmem:s28+$0x8160]  }
0xb6: {  	v21 =	vld [tilespmem:s29+$0x6170]  }
0xb7: {  	v22 =	vld [tilespmem:s29+$0x4100]  }
0xb8: {  	v23 =	vld [tilespmem:s29+$0x8170];
	[tilespmem:s28+$0x4100] =	vst v20  }
0xb9: {  	v24 =	vld [tilespmem:s29+$0x6100];
	[tilespmem:s28+$0x6100] =	vst v18  }
0xba: {  	v25 =	vld [tilespmem:s29+$0x4110];
	v3 =	vadd.f32 v3, v16;
	[tilespmem:s28+$0x4110] =	vst v19  }
0xbb: {  	v26 =	vld [tilespmem:s29+$0x6110];
	v8 =	vadd.f32 v8, v16;
	[tilespmem:s28+$0x6110] =	vst v17  }
0xbc: {  	v27 =	vld [tilespmem:s29+$0x4120];
	v0 =	vadd.f32 v1, v0;
	[tilespmem:s28+$0x4120] =	vst v3  }
0xbd: {  	v28 =	vld [tilespmem:s29+$0x6120];
	v4 =	vadd.f32 v4, v15;
	[tilespmem:s28+$0x6120] =	vst v8  }
0xbe: {  	v29 =	vld [tilespmem:s29+$0x4130];
	v9 =	vadd.f32 v9, v15;
	[tilespmem:s28+$0x4170] =	vst v0  }
0xbf: {  	v31 =	vld [tilespmem:s29+$0x6130];
	v5 =	vadd.f32 v5, v14;
	[tilespmem:s28+$0x4130] =	vst v4  }
0xc0: {  	v32 =	vld [tilespmem:s29+$0x4140];
	v11 =	vadd.f32 v11, v14;
	[tilespmem:s28+$0x6130] =	vst v9  }
0xc1: {  	v39 =	vld [tilespmem:s29+$0x8100];
	v7 =	vadd.f32 v7, v12;
	[tilespmem:s28+$0x4140] =	vst v5  }
0xc2: {  	v33 =	vld [tilespmem:s29+$0x6140];
	v10 =	vadd.f32 v10, v12;
	[tilespmem:s28+$0x6140] =	vst v11  }
0xc3: {  	v40 =	vld [tilespmem:s29+$0x8110];
	v2 =	vadd.f32 v2, v13;
	v21 =	vmul.f32 $1.131370830e+01, v21;
	[tilespmem:s28+$0x4150] =	vst v7  }
0xc4: {  	v36 =	vld [tilespmem:s29+$0x4160];
	v6 =	vadd.f32 v6, v13;
	v42 =	vmul.f32 $1.131370830e+01, v22;
	[tilespmem:s28+$0x6150] =	vst v10  }
0xc5: {  	v41 =	vld [tilespmem:s29+$0x8120];
	v44 =	vmul.f32 $1.131370830e+01, v24;
	[tilespmem:s28+$0x4160] =	vst v2;
	v21 =	vadd.f32 v21, v23  }
0xc6: {  	v38 =	vld [tilespmem:s29+$0x4170];
	v46 =	vmul.f32 $1.131370830e+01, v25;
	[tilespmem:s28+$0x6160] =	vst v6;
	v47 =	vadd.f32 v42, v39  }
0xc7: {  	v43 =	vld [tilespmem:s29+$0x8130];
	v49 =	vmul.f32 $1.131370830e+01, v26;
	v1 =	vadd.f32 v44, v39;
	[tilespmem:s29+$0x6170] =	vst v21  }
0xc8: {  	v45 =	vld [tilespmem:s29+$0x8140];
	v51 =	vmul.f32 $1.131370830e+01, v27;
	v13 =	vadd.f32 v46, v40;
	[tilespmem:s29+$0x4100] =	vst v47  }
0xc9: {  	v50 =	vld [tilespmem:s29+$0x8160];
	v52 =	vmul.f32 $1.131370830e+01, v28;
	v0 =	vadd.f32 v49, v40;
	[tilespmem:s29+$0x6100] =	vst v1  }
0xca: {  	v34 =	vld [tilespmem:s29+$0x4150];
	v55 =	vmul.f32 $1.131370830e+01, v31;
	v54 =	vadd.f32 v51, v41;
	[tilespmem:s29+$0x4110] =	vst v13  }
0xcb: {  	v35 =	vld [tilespmem:s29+$0x6150];
	v57 =	vmul.f32 $1.131370830e+01, v33;
	v6 =	vadd.f32 v52, v41;
	[tilespmem:s29+$0x6110] =	vst v0  }
0xcc: {  	v37 =	vld [tilespmem:s29+$0x6160];
	v60 =	vmul.f32 $1.131370830e+01, v36;
	v10 =	vadd.f32 v55, v43;
	[tilespmem:s29+$0x4120] =	vst v54  }
0xcd: {  	v48 =	vld [tilespmem:s29+$0x8150];
	v62 =	vmul.f32 $1.131370830e+01, v38;
	v2 =	vadd.f32 v57, v45;
	[tilespmem:s29+$0x6120] =	vst v6  }
0xce: {  	v53 =	vmul.f32 $1.131370830e+01, v29;
	v3 =	vadd.f32 v60, v50;
	[tilespmem:s29+$0x6130] =	vst v10  }
0xcf: {  	v56 =	vmul.f32 $1.131370830e+01, v32;
	v63 =	vadd.f32 v62, v23;
	[tilespmem:s29+$0x6140] =	vst v2  }
0xd0: {  	v58 =	vmul.f32 $1.131370830e+01, v34;
	v1 =	vadd.f32 v53, v43;
	[tilespmem:s29+$0x4160] =	vst v3  }
0xd1: {  	v59 =	vmul.f32 $1.131370830e+01, v35;
	v0 =	vadd.f32 v56, v45;
	[tilespmem:s29+$0x4170] =	vst v63  }
0xd2: {  	v61 =	vmul.f32 $1.131370830e+01, v37;
	v6 =	vadd.f32 v58, v48;
	[tilespmem:s29+$0x4130] =	vst v1  }
0xd3: {  	[tilespmem:s29+$0x4140] =	vst v0;
	v1 =	vadd.f32 v59, v48  }
0xd4: {  	[tilespmem:s29+$0x4150] =	vst v6;
	v0 =	vadd.f32 v61, v50  }
0xd5: {  	[tilespmem:s29+$0x6150] =	vst v1  }
0xd6: {  	[tilespmem:s29+$0x6160] =	vst v0  }
0xd7: {  	[hbm4b:s11+s3] =	stream.linear.scatter [tilespmem:s20], [sflag:$0x4], $0x2000, $0x38;
	[tilespmem:$0xA100] =	vst v63  }
0xd8: {  	_ = 	snop  }
0xd9: {  	[hbm4b:s12+s3] =	stream.linear.scatter [tilespmem:s24], [sflag:$0x4], $0x2000, $0x38;
	[tilespmem:$0xA100] =	vst v63  }
0xda: {  	_ =	swait.ge [sflag:s25], $0x2000  }
0xdb: {  	[sflag:s25] =	ssyncset.done $0x0  }
0xdc: {  	[sflag:s25] =	ssyncadd.s32 $0xFFFFE000  }
0xdd: {  	_ =	swait.ge [sflag:s25], $0x2000  }
0xde: {  	[sflag:s25] =	ssyncset.done $0x0  }
0xdf: {  	s26 =	sadd.s32 $0x1, s26;
	[sflag:s25] =	ssyncadd.s32 $0xFFFFE000  }
0xe0: {  	p0 =	sne.s32 s26, s13;
	_ =	swait.ge [sflag:s25], $0x2000  }
.Ltmp2:
0xe1: {  	[sflag:s25] =	ssyncset.done $0x0;
	(pc) =	sbr.rel @p0 .LBB2_1-.Ltmp2, $4  }
0xe2: {  	[sflag:s25] =	ssyncadd.s32 $0xFFFFE000  }
0xe3: {  	_ =	swait.ge [sflag:s25], $0x2000  }
0xe4: {  	[sflag:s25] =	ssyncset.done $0x0  }
0xe5: {  	[sflag:s25] =	ssyncadd.s32 $0xFFFFE000  }
0xe6: {  	_ =	sfence.sel $0x180000  }
0xe7: {  	[bflag:$0x0] =	sbarrier.arrive $0xFFFF  }
0xe8: {  	p0 =	sne.s32 s0, $0x0;
	_ =	strace $0x90000047  }
0xe9: {  	s0 =	sadd.s32 @!p0 $0x100000, s2;
	[bflag:$0x2] =	sbarrier.arrive $0xFFFF  }
0xea: {  	[sflag:s0] =	ssyncadd.tile.s32 @!p0 $0x1;
	_ =	shalt  }
.Lfunc_end2:
_tile_overlayer_lowered:
.L_overlay_start_2:
0xeb: {  	(tag) =	ssettag $0x2  }
0xec: {  	s0 =	rddreg [dreg:$0x0];
	s2 =	stileid.u32  }
0xed: {  	s1 =	rddreg [dreg:$0x1];
	p0 =	sne.s32 s2, $0x0  }
0xee: {  	s3 =	rddreg [dreg:$0x2];
	[bflag:$0x3] =	sbarrier.arrive $0xFFFF;
	s2 =	simm.s32 @!p0 $0x1C05  }
0xef: {  	[timem:s3], [sflag:s2] =	dma.local @!p0 [hbm:s0], s1  }
0xf0: {  	s0 =	simm.s32 @!p0 $0x5  }
0xf1: {  	_ =	swait.ge @!p0 [sflag:s0], s1  }
0xf2: {  	s1 =	ssub.s32 @!p0 $0x0, s1;
	[sflag:s0] =	ssyncset.done @!p0 $0x0  }
0xf3: {  	[sflag:s0] =	ssyncadd.s32 @!p0 s1  }
0xf4: {  	[bflag:$0x3] =	sbarrier.arrive $0xFFFF  }
0xf5: {  	_ =	shalt  }

</sc_bundles>
